<compile_context>
chip_gen: v7x
topology: tpu7x:2x2x1
jax: 0.10.2.dev20260603
libtpu: 0.0.44.dev20260713+nightly
codegen_flags: <defaults>
</compile_context>

<pallas_src>
import functools

import jax
import jax.numpy as jnp
from jax import lax
from jax.experimental import pallas as pl
from jax.experimental.pallas import tpu as pltpu, tpu_sc as plsc

DICT = 100
B, T = 1024, 200
NBIN = 128
W = 240
NW = 32
RPW = B // NW
EPS = 1e-09


def _body(amt_hbm, mcc_hbm, sl_hbm, out_hbm, amt_v, mcc_v, sl_v, out_v, hc, hs,
          sem_a, sem_b, sem_o):
    wid = lax.axis_index("s") * 2 + lax.axis_index("c")
    base = wid * RPW
    half = RPW // 2

    h1 = pltpu.async_copy(amt_hbm.at[pl.ds(base, half)],
                          amt_v.at[pl.ds(0, half)], sem_a)
    h2 = pltpu.async_copy(mcc_hbm.at[pl.ds(base, half)],
                          mcc_v.at[pl.ds(0, half)], sem_a)
    h3 = pltpu.async_copy(amt_hbm.at[pl.ds(base + half, half)],
                          amt_v.at[pl.ds(half, half)], sem_b)
    h4 = pltpu.async_copy(mcc_hbm.at[pl.ds(base + half, half)],
                          mcc_v.at[pl.ds(half, half)], sem_b)
    pltpu.sync_copy(sl_hbm.at[pl.ds(base, RPW)], sl_v.at[pl.ds(0, RPW)])

    iota = lax.iota(jnp.int32, 16)
    zero = jnp.zeros((16,), jnp.float32)
    ones = jnp.ones((16,), jnp.float32)
    tail_keep = iota >= 8

    def row_work(r, _):
        for k in range(7):
            hc[pl.ds(k * 16, 16)] = zero
            hs[pl.ds(k * 16, 16)] = zero

        acc_s = zero
        acc_q = zero
        vals = []
        idxs = []
        cidxs = []
        for j in range(13):
            off = j * 16 if j < 12 else 184
            a = amt_v[r, pl.ds(off, 16)]
            v = jnp.sign(a) * (jnp.exp(jnp.abs(a)) - 1.0)
            idx = jnp.clip(mcc_v[r, pl.ds(off, 16)], 0, DICT - 1)
            cidx = idx
            if j == 12:
                v = jnp.where(tail_keep, v, 0.0)
                cidx = jnp.where(tail_keep, idx, 0)
            vals.append(v)
            idxs.append(idx)
            cidxs.append(cidx)
            acc_s = acc_s + v
            acc_q = acc_q + v * v
        for j in range(13):
            plsc.addupdate_scatter(hc, [cidxs[j]], ones)
            plsc.addupdate_scatter(hs, [idxs[j]], vals[j])

        sum_ = jnp.full((16,), jnp.sum(acc_s))
        sumsq = jnp.full((16,), jnp.sum(acc_q))

        slf = jnp.full((16,), sl_v[pl.ds(r, 16)][0].astype(jnp.float32))
        mean = sum_ / (slf + EPS)
        var_num = jnp.maximum(sumsq - sum_ * sum_ / (slf + EPS), 0.0)
        var = var_num / (jnp.maximum(slf - 1.0, 0.0) + EPS)

        rv = jnp.full((16,), r)
        dcnt = zero
        for k in range(7):
            c = hc[pl.ds(k * 16, 16)]
            s = hs[pl.ds(k * 16, 16)]
            if k == 0:
                c = jnp.where(iota == 0, 0.0, c)
            em = s / (c + 1e-09)
            dcnt = dcnt + jnp.where(c > 0.0, 1.0, 0.0)
            if k < 6:
                plsc.store_scatter(out_v, [rv, 4 + k * 16 + iota], c)
                plsc.store_scatter(out_v, [rv, 104 + k * 16 + iota], em)
            else:
                plsc.store_scatter(out_v, [rv, 100 + iota], c, mask=iota < 4)
                em = jnp.where(iota == 4, jnp.sum(dcnt), em)
                plsc.store_scatter(out_v, [rv, 200 + iota], em, mask=iota < 5)

        x = jnp.where(iota == 3, var, 1.0)
        bits = lax.bitcast_convert_type(x, jnp.int32)
        y = lax.bitcast_convert_type(
            lax.shift_right_arithmetic(bits, 1) + jnp.int32(0x1FBD1DF5),
            jnp.float32)
        for _ in range(3):
            y = 0.5 * (y + x / y)

        head = jnp.where(iota == 0, slf,
               jnp.where(iota == 1, sum_,
               jnp.where(iota == 2, mean,
               jnp.where(iota == 3, y, 0.0))))
        plsc.store_scatter(out_v, [rv, iota], head, mask=iota < 4)
        return 0

    h1.wait()
    h2.wait()
    lax.fori_loop(0, half, row_work, 0)
    ho = pltpu.async_copy(out_v.at[pl.ds(0, half)],
                          out_hbm.at[pl.ds(base, half)], sem_o)
    h3.wait()
    h4.wait()
    lax.fori_loop(half, RPW, row_work, 0)
    ho.wait()
    pltpu.sync_copy(out_v.at[pl.ds(half, half)],
                    out_hbm.at[pl.ds(base + half, half)])


@jax.jit
def _run(amount, mcc, seq_lens):
    mesh = plsc.VectorSubcoreMesh(core_axis_name="c", subcore_axis_name="s")
    k = functools.partial(
        pl.kernel,
        out_type=jax.ShapeDtypeStruct((B, 205), jnp.float32),
        mesh=mesh,
        scratch_types=[
            pltpu.VMEM((RPW, T), jnp.float32),
            pltpu.VMEM((RPW, T), jnp.int32),
            pltpu.VMEM((RPW + 16,), jnp.int32),
            pltpu.VMEM((RPW, 205), jnp.float32),
            pltpu.VMEM((NBIN,), jnp.float32),
            pltpu.VMEM((NBIN,), jnp.float32),
            pltpu.SemaphoreType.DMA,
            pltpu.SemaphoreType.DMA,
            pltpu.SemaphoreType.DMA,
        ],
        compiler_params=pltpu.CompilerParams(needs_layout_passes=False, use_tc_tiling_on_sc=True),
    )(_body)
    return k(amount, mcc, seq_lens)


def kernel(amount, mcc, seq_lens):
    return _run(amount, mcc.astype(jnp.int32), seq_lens.astype(jnp.int32))

# --- scband reference (transcript-rebuilt; emitter-appended) ---
"""Pipeline reference for scband-agg-feature-seq-encoder-4956392259659 (READ-ONLY COPY).

The authoritative reference and input builder live on the scoring server;
editing this copy changes nothing except your own understanding.
"""

import jax, jax.numpy as jnp
import numpy as np

DICT_SIZE = 100
B, T = 1024, 200
EPS = 1e-09


def setup_inputs(seed: int = 0) -> dict:
    key = jax.random.key(seed)
    k1, k2, k3 = jax.random.split(key, 3)
    amount = jax.random.normal(k1, (B, T), dtype=jnp.float32)
    mcc = jax.random.randint(k2, (B, T), 0, DICT_SIZE)
    seq_lens = jax.random.randint(k3, (B,), 1, T + 1)
    return {"amount": amount, "mcc": mcc, "seq_lens": seq_lens}


def reference(amount, mcc, seq_lens):
    sl = seq_lens.astype(jnp.float32)
    processed = [sl[:, None]]  # logify_sum_mean_seqlens=False

    # numeric feature 'amount' (options 'identity' is str, was_logified=True -> expm1 undo)
    val_orig = jnp.expm1(1.0 * jnp.abs(amount)) * jnp.sign(amount)

    sum_ = jnp.sum(val_orig, axis=1)[:, None]
    a = jnp.clip(jnp.sum(val_orig ** 2, axis=1) - jnp.sum(val_orig, axis=1) ** 2 / (sl + EPS), 0.0, None)
    mean_ = (jnp.sum(val_orig, axis=1) / (sl + EPS))[:, None]
    std_ = (a / (jnp.clip(sl - 1.0, 0.0, None) + EPS)) ** 0.5
    std_ = std_[:, None]

    processed.append(sum_)   # not distribution_target_task, not logify
    processed.append(mean_)
    processed.append(std_)   # numeric std always appended when not distribution_target_task

    # categorical 'mcc' grouped statistics via one-hot gather (faithful to torch ohe[val.flatten()])
    ohe = jnp.eye(DICT_SIZE, dtype=jnp.float32)
    val_embed = jnp.clip(mcc, 0, DICT_SIZE - 1)
    ohe_transform = ohe[val_embed.reshape(-1)].reshape(val_embed.shape[0], val_embed.shape[1], DICT_SIZE)
    m_sum = ohe_transform * val_orig[:, :, None]
    mask = (1.0 - ohe[0])[None, :]
    e_cnt = jnp.sum(ohe_transform, axis=1) * mask

    # is_used_count=True
    processed.append(e_cnt)
    # is_used_mean=True
    e_sum = jnp.sum(m_sum, axis=1)
    e_mean = e_sum / (e_cnt + 1e-09)
    processed.append(e_mean)
    # is_used_std=False -> skipped

    # second loop over embeddings: distinct-category count
    ohe_transform2 = ohe[val_embed.reshape(-1)].reshape(val_embed.shape[0], val_embed.shape[1], DICT_SIZE)
    e_cnt2 = jnp.sum(ohe_transform2, axis=1) * mask
    processed.append(jnp.sum((e_cnt2 > 0.0).astype(jnp.float32), axis=1, keepdims=True))

    out = jnp.concatenate(processed, axis=1)
    return out

if __name__ == "__main__":
    import jax
    _d = setup_inputs()
    print(jax.jit(kernel)(*tuple(_d.values())))

</pallas_src>

<mosaic_0001>
#map = affine_map<(d0, d1) -> (0, 0)>
#map1 = affine_map<(d0, d1) -> (0)>
module attributes {stable_mosaic.version = 14 : i64} {
  func.func @_body(%arg0: i32, %arg1: i32, %arg2: memref<1024x200xf32, #tpu.memory_space<hbm>>, %arg3: memref<1024x200xi32, #tpu.memory_space<hbm>>, %arg4: memref<1024xi32, #tpu.memory_space<hbm>>, %arg5: memref<1024x205xf32, #tpu.memory_space<hbm>>, %arg6: memref<32x200xf32, #tpu.memory_space<vmem>>, %arg7: memref<32x200xi32, #tpu.memory_space<vmem>>, %arg8: memref<48xi32, #tpu.memory_space<vmem>>, %arg9: memref<32x205xf32, #tpu.memory_space<vmem>>, %arg10: memref<128xf32, #tpu.memory_space<vmem>>, %arg11: memref<128xf32, #tpu.memory_space<vmem>>, %arg12: memref<!tpu.dma_semaphore, #tpu.memory_space<semaphore_mem>>, %arg13: memref<!tpu.dma_semaphore, #tpu.memory_space<semaphore_mem>>, %arg14: memref<!tpu.dma_semaphore, #tpu.memory_space<semaphore_mem>>) attributes {dimension_semantics = [#tpu.dimension_semantics<core_parallel>, #tpu.dimension_semantics<subcore_parallel>], iteration_bounds = array<i64: 2, 16>, scalar_prefetch = 0 : i64, scratch_operands = 9 : i64, tpu.core_type = #tpu.core_type<sc_vector_subcore>, window_params = [{transform_indices = #map}, {transform_indices = #map}, {transform_indices = #map1}, {transform_indices = #map}]} {
    %mul3A = arith.constant 2 : i32
    %mul3A_0 = arith.muli %arg1, %mul3A : i32
    %add3A = arith.addi %mul3A_0, %arg0 : i32
    %mul3A_1 = arith.constant 32 : i32
    %mul3A_2 = arith.muli %add3A, %mul3A_1 : i32
    %dma_start3A = arith.constant 0 : i32
    %dma_start3A_3 = arith.constant 0 : i32
    %dma_start3A_4 = tpu.memref_slice %arg6[%dma_start3A, %dma_start3A_3] : memref<32x200xf32, #tpu.memory_space<vmem>> -> memref<16x200xf32, #tpu.memory_space<vmem>>
    %dma_start3A_5 = arith.constant 0 : i32
    %dma_start3A_6 = tpu.memref_slice %arg2[%mul3A_2, %dma_start3A_5] : memref<1024x200xf32, #tpu.memory_space<hbm>> -> memref<16x200xf32, #tpu.memory_space<hbm>>
    %dma_start3A_7 = arith.constant 0 : i32
    %dma_start3A_8 = arith.constant 0 : i32
    %dma_start3A_9 = tpu.memref_slice %arg6[%dma_start3A_7, %dma_start3A_8] : memref<32x200xf32, #tpu.memory_space<vmem>> -> memref<16x200xf32, #tpu.memory_space<vmem>>
    %dma_start3A_10 = arith.constant 0 : i32
    %dma_start3A_11 = tpu.memref_slice %arg2[%mul3A_2, %dma_start3A_10] : memref<1024x200xf32, #tpu.memory_space<hbm>> -> memref<16x200xf32, #tpu.memory_space<hbm>>
    tpu.enqueue_dma source(%dma_start3A_11 : memref<16x200xf32, #tpu.memory_space<hbm>>) target(%dma_start3A_9 : memref<16x200xf32, #tpu.memory_space<vmem>>) target_semaphore(%arg12 : memref<!tpu.dma_semaphore, #tpu.memory_space<semaphore_mem>>)
    %dma_start3A_12 = arith.constant 0 : i32
    %dma_start3A_13 = arith.constant 0 : i32
    %dma_start3A_14 = tpu.memref_slice %arg7[%dma_start3A_12, %dma_start3A_13] : memref<32x200xi32, #tpu.memory_space<vmem>> -> memref<16x200xi32, #tpu.memory_space<vmem>>
    %dma_start3A_15 = arith.constant 0 : i32
    %dma_start3A_16 = tpu.memref_slice %arg3[%mul3A_2, %dma_start3A_15] : memref<1024x200xi32, #tpu.memory_space<hbm>> -> memref<16x200xi32, #tpu.memory_space<hbm>>
    %dma_start3A_17 = arith.constant 0 : i32
    %dma_start3A_18 = arith.constant 0 : i32
    %dma_start3A_19 = tpu.memref_slice %arg7[%dma_start3A_17, %dma_start3A_18] : memref<32x200xi32, #tpu.memory_space<vmem>> -> memref<16x200xi32, #tpu.memory_space<vmem>>
    %dma_start3A_20 = arith.constant 0 : i32
    %dma_start3A_21 = tpu.memref_slice %arg3[%mul3A_2, %dma_start3A_20] : memref<1024x200xi32, #tpu.memory_space<hbm>> -> memref<16x200xi32, #tpu.memory_space<hbm>>
    tpu.enqueue_dma source(%dma_start3A_21 : memref<16x200xi32, #tpu.memory_space<hbm>>) target(%dma_start3A_19 : memref<16x200xi32, #tpu.memory_space<vmem>>) target_semaphore(%arg12 : memref<!tpu.dma_semaphore, #tpu.memory_space<semaphore_mem>>)
    %add3A_22 = arith.constant 16 : i32
    %add3A_23 = arith.addi %mul3A_2, %add3A_22 : i32
    %dma_start3A_24 = arith.constant 16 : i32
    %dma_start3A_25 = arith.constant 0 : i32
    %dma_start3A_26 = tpu.memref_slice %arg6[%dma_start3A_24, %dma_start3A_25] : memref<32x200xf32, #tpu.memory_space<vmem>> -> memref<16x200xf32, #tpu.memory_space<vmem>>
    %dma_start3A_27 = arith.constant 0 : i32
    %dma_start3A_28 = tpu.memref_slice %arg2[%add3A_23, %dma_start3A_27] : memref<1024x200xf32, #tpu.memory_space<hbm>> -> memref<16x200xf32, #tpu.memory_space<hbm>>
    %dma_start3A_29 = arith.constant 16 : i32
    %dma_start3A_30 = arith.constant 0 : i32
    %dma_start3A_31 = tpu.memref_slice %arg6[%dma_start3A_29, %dma_start3A_30] : memref<32x200xf32, #tpu.memory_space<vmem>> -> memref<16x200xf32, #tpu.memory_space<vmem>>
    %dma_start3A_32 = arith.constant 0 : i32
    %dma_start3A_33 = tpu.memref_slice %arg2[%add3A_23, %dma_start3A_32] : memref<1024x200xf32, #tpu.memory_space<hbm>> -> memref<16x200xf32, #tpu.memory_space<hbm>>
    tpu.enqueue_dma source(%dma_start3A_33 : memref<16x200xf32, #tpu.memory_space<hbm>>) target(%dma_start3A_31 : memref<16x200xf32, #tpu.memory_space<vmem>>) target_semaphore(%arg13 : memref<!tpu.dma_semaphore, #tpu.memory_space<semaphore_mem>>)
    %add3A_34 = arith.constant 16 : i32
    %add3A_35 = arith.addi %mul3A_2, %add3A_34 : i32
    %dma_start3A_36 = arith.constant 16 : i32
    %dma_start3A_37 = arith.constant 0 : i32
    %dma_start3A_38 = tpu.memref_slice %arg7[%dma_start3A_36, %dma_start3A_37] : memref<32x200xi32, #tpu.memory_space<vmem>> -> memref<16x200xi32, #tpu.memory_space<vmem>>
    %dma_start3A_39 = arith.constant 0 : i32
    %dma_start3A_40 = tpu.memref_slice %arg3[%add3A_35, %dma_start3A_39] : memref<1024x200xi32, #tpu.memory_space<hbm>> -> memref<16x200xi32, #tpu.memory_space<hbm>>
    %dma_start3A_41 = arith.constant 16 : i32
    %dma_start3A_42 = arith.constant 0 : i32
    %dma_start3A_43 = tpu.memref_slice %arg7[%dma_start3A_41, %dma_start3A_42] : memref<32x200xi32, #tpu.memory_space<vmem>> -> memref<16x200xi32, #tpu.memory_space<vmem>>
    %dma_start3A_44 = arith.constant 0 : i32
    %dma_start3A_45 = tpu.memref_slice %arg3[%add3A_35, %dma_start3A_44] : memref<1024x200xi32, #tpu.memory_space<hbm>> -> memref<16x200xi32, #tpu.memory_space<hbm>>
    tpu.enqueue_dma source(%dma_start3A_45 : memref<16x200xi32, #tpu.memory_space<hbm>>) target(%dma_start3A_43 : memref<16x200xi32, #tpu.memory_space<vmem>>) target_semaphore(%arg13 : memref<!tpu.dma_semaphore, #tpu.memory_space<semaphore_mem>>)
    "tpu.region"() ({
      %run_scoped3A = tpu.sem_alloc : memref<!tpu.dma_semaphore, #tpu.memory_space<semaphore_mem>>
      %dma_start3A_125 = arith.constant 0 : i32
      %dma_start3A_126 = tpu.memref_slice %arg8[%dma_start3A_125] : memref<48xi32, #tpu.memory_space<vmem>> -> memref<32xi32, #tpu.memory_space<vmem>>
      %dma_start3A_127 = tpu.memref_slice %arg4[%mul3A_2] : memref<1024xi32, #tpu.memory_space<hbm>> -> memref<32xi32, #tpu.memory_space<hbm>>
      %dma_start3A_128 = arith.constant 0 : i32
      %dma_start3A_129 = tpu.memref_slice %arg8[%dma_start3A_128] : memref<48xi32, #tpu.memory_space<vmem>> -> memref<32xi32, #tpu.memory_space<vmem>>
      %dma_start3A_130 = tpu.memref_slice %arg4[%mul3A_2] : memref<1024xi32, #tpu.memory_space<hbm>> -> memref<32xi32, #tpu.memory_space<hbm>>
      tpu.enqueue_dma source(%dma_start3A_130 : memref<32xi32, #tpu.memory_space<hbm>>) target(%dma_start3A_129 : memref<32xi32, #tpu.memory_space<vmem>>) target_semaphore(%run_scoped3A : memref<!tpu.dma_semaphore, #tpu.memory_space<semaphore_mem>>)
      %dma_wait3A_131 = arith.constant 0 : i32
      %dma_wait3A_132 = tpu.memref_slice %arg8[%dma_wait3A_131] : memref<48xi32, #tpu.memory_space<vmem>> -> memref<32xi32, #tpu.memory_space<vmem>>
      %dma_wait3A_133 = tpu.memref_slice %arg4[%mul3A_2] : memref<1024xi32, #tpu.memory_space<hbm>> -> memref<32xi32, #tpu.memory_space<hbm>>
      %dma_wait3A_134 = arith.constant 0 : i32
      %dma_wait3A_135 = tpu.memref_slice %arg8[%dma_wait3A_134] : memref<48xi32, #tpu.memory_space<vmem>> -> memref<32xi32, #tpu.memory_space<vmem>>
      %dma_wait3A_136 = tpu.memref_slice %arg4[%mul3A_2] : memref<1024xi32, #tpu.memory_space<hbm>> -> memref<32xi32, #tpu.memory_space<hbm>>
      tpu.wait_dma2 semaphore(%run_scoped3A : memref<!tpu.dma_semaphore, #tpu.memory_space<semaphore_mem>>) src(%dma_wait3A_136 : memref<32xi32, #tpu.memory_space<hbm>>) dst(%dma_wait3A_135 : memref<32xi32, #tpu.memory_space<vmem>>)
      tpu.yield
    }) : () -> ()
    %iota3A = tpu.iota {dimensions = array<i32: 0>} : vector<16xi32>
    %broadcast_in_dim3A = arith.constant 0.000000e+00 : f32
    %broadcast_in_dim3A_46 = vector.broadcast %broadcast_in_dim3A : f32 to vector<16xf32>
    %broadcast_in_dim3A_47 = arith.constant 1.000000e+00 : f32
    %broadcast_in_dim3A_48 = vector.broadcast %broadcast_in_dim3A_47 : f32 to vector<16xf32>
    %ge3A = arith.constant 8 : i32
    %ge3A_49 = vector.broadcast %ge3A : i32 to vector<16xi32>
    %ge3A_50 = arith.cmpi sge, %iota3A, %ge3A_49 : vector<16xi32>
    %dma_wait3A = arith.constant 0 : i32
    %dma_wait3A_51 = arith.constant 0 : i32
    %dma_wait3A_52 = tpu.memref_slice %arg6[%dma_wait3A, %dma_wait3A_51] : memref<32x200xf32, #tpu.memory_space<vmem>> -> memref<16x200xf32, #tpu.memory_space<vmem>>
    %dma_wait3A_53 = arith.constant 0 : i32
    %dma_wait3A_54 = tpu.memref_slice %arg2[%mul3A_2, %dma_wait3A_53] : memref<1024x200xf32, #tpu.memory_space<hbm>> -> memref<16x200xf32, #tpu.memory_space<hbm>>
    %dma_wait3A_55 = arith.constant 0 : i32
    %dma_wait3A_56 = arith.constant 0 : i32
    %dma_wait3A_57 = tpu.memref_slice %arg6[%dma_wait3A_55, %dma_wait3A_56] : memref<32x200xf32, #tpu.memory_space<vmem>> -> memref<16x200xf32, #tpu.memory_space<vmem>>
    %dma_wait3A_58 = arith.constant 0 : i32
    %dma_wait3A_59 = tpu.memref_slice %arg2[%mul3A_2, %dma_wait3A_58] : memref<1024x200xf32, #tpu.memory_space<hbm>> -> memref<16x200xf32, #tpu.memory_space<hbm>>
    tpu.wait_dma2 semaphore(%arg12 : memref<!tpu.dma_semaphore, #tpu.memory_space<semaphore_mem>>) src(%dma_wait3A_59 : memref<16x200xf32, #tpu.memory_space<hbm>>) dst(%dma_wait3A_57 : memref<16x200xf32, #tpu.memory_space<vmem>>)
    %dma_wait3A_60 = arith.constant 0 : i32
    %dma_wait3A_61 = arith.constant 0 : i32
    %dma_wait3A_62 = tpu.memref_slice %arg7[%dma_wait3A_60, %dma_wait3A_61] : memref<32x200xi32, #tpu.memory_space<vmem>> -> memref<16x200xi32, #tpu.memory_space<vmem>>
    %dma_wait3A_63 = arith.constant 0 : i32
    %dma_wait3A_64 = tpu.memref_slice %arg3[%mul3A_2, %dma_wait3A_63] : memref<1024x200xi32, #tpu.memory_space<hbm>> -> memref<16x200xi32, #tpu.memory_space<hbm>>
    %dma_wait3A_65 = arith.constant 0 : i32
    %dma_wait3A_66 = arith.constant 0 : i32
    %dma_wait3A_67 = tpu.memref_slice %arg7[%dma_wait3A_65, %dma_wait3A_66] : memref<32x200xi32, #tpu.memory_space<vmem>> -> memref<16x200xi32, #tpu.memory_space<vmem>>
    %dma_wait3A_68 = arith.constant 0 : i32
    %dma_wait3A_69 = tpu.memref_slice %arg3[%mul3A_2, %dma_wait3A_68] : memref<1024x200xi32, #tpu.memory_space<hbm>> -> memref<16x200xi32, #tpu.memory_space<hbm>>
    tpu.wait_dma2 semaphore(%arg12 : memref<!tpu.dma_semaphore, #tpu.memory_space<semaphore_mem>>) src(%dma_wait3A_69 : memref<16x200xi32, #tpu.memory_space<hbm>>) dst(%dma_wait3A_67 : memref<16x200xi32, #tpu.memory_space<vmem>>)
    %scan3A = arith.constant 0 : i32
    %scan3A_70 = arith.constant 0 : i32
    %scan3A_71 = arith.constant 16 : i32
    %scan3A_72 = arith.addi %scan3A_70, %scan3A_71 : i32
    %scan3A_73 = arith.constant 1 : i32
    %scan3A_74 = scf.for %scan3A_125 = %scan3A_70 to %scan3A_72 step %scan3A_73 iter_args(%scan3A_126 = %scan3A) -> (i32)  : i32 {
      %swap3A = arith.constant 0 : index
      %swap3A_127 = tpu.vector_load %arg10[%swap3A] {strides = array<i32>} : memref<128xf32, #tpu.memory_space<vmem>>, vector<16xf32>,
      tpu.vector_store %arg10[%swap3A], %broadcast_in_dim3A_46 {strides = array<i32>} : memref<128xf32, #tpu.memory_space<vmem>>, vector<16xf32>,
      %swap3A_128 = arith.constant 0 : index
      %swap3A_129 = tpu.vector_load %arg11[%swap3A_128] {strides = array<i32>} : memref<128xf32, #tpu.memory_space<vmem>>, vector<16xf32>,
      tpu.vector_store %arg11[%swap3A_128], %broadcast_in_dim3A_46 {strides = array<i32>} : memref<128xf32, #tpu.memory_space<vmem>>, vector<16xf32>,
      %swap3A_130 = arith.constant 16 : index
      %swap3A_131 = tpu.vector_load %arg10[%swap3A_130] {strides = array<i32>} : memref<128xf32, #tpu.memory_space<vmem>>, vector<16xf32>,
      tpu.vector_store %arg10[%swap3A_130], %broadcast_in_dim3A_46 {strides = array<i32>} : memref<128xf32, #tpu.memory_space<vmem>>, vector<16xf32>,
      %swap3A_132 = arith.constant 16 : index
      %swap3A_133 = tpu.vector_load %arg11[%swap3A_132] {strides = array<i32>} : memref<128xf32, #tpu.memory_space<vmem>>, vector<16xf32>,
      tpu.vector_store %arg11[%swap3A_132], %broadcast_in_dim3A_46 {strides = array<i32>} : memref<128xf32, #tpu.memory_space<vmem>>, vector<16xf32>,
      %swap3A_134 = arith.constant 32 : index
      %swap3A_135 = tpu.vector_load %arg10[%swap3A_134] {strides = array<i32>} : memref<128xf32, #tpu.memory_space<vmem>>, vector<16xf32>,
      tpu.vector_store %arg10[%swap3A_134], %broadcast_in_dim3A_46 {strides = array<i32>} : memref<128xf32, #tpu.memory_space<vmem>>, vector<16xf32>,
      %swap3A_136 = arith.constant 32 : index
      %swap3A_137 = tpu.vector_load %arg11[%swap3A_136] {strides = array<i32>} : memref<128xf32, #tpu.memory_space<vmem>>, vector<16xf32>,
      tpu.vector_store %arg11[%swap3A_136], %broadcast_in_dim3A_46 {strides = array<i32>} : memref<128xf32, #tpu.memory_space<vmem>>, vector<16xf32>,
      %swap3A_138 = arith.constant 48 : index
      %swap3A_139 = tpu.vector_load %arg10[%swap3A_138] {strides = array<i32>} : memref<128xf32, #tpu.memory_space<vmem>>, vector<16xf32>,
      tpu.vector_store %arg10[%swap3A_138], %broadcast_in_dim3A_46 {strides = array<i32>} : memref<128xf32, #tpu.memory_space<vmem>>, vector<16xf32>,
      %swap3A_140 = arith.constant 48 : index
      %swap3A_141 = tpu.vector_load %arg11[%swap3A_140] {strides = array<i32>} : memref<128xf32, #tpu.memory_space<vmem>>, vector<16xf32>,
      tpu.vector_store %arg11[%swap3A_140], %broadcast_in_dim3A_46 {strides = array<i32>} : memref<128xf32, #tpu.memory_space<vmem>>, vector<16xf32>,
      %swap3A_142 = arith.constant 64 : index
      %swap3A_143 = tpu.vector_load %arg10[%swap3A_142] {strides = array<i32>} : memref<128xf32, #tpu.memory_space<vmem>>, vector<16xf32>,
      tpu.vector_store %arg10[%swap3A_142], %broadcast_in_dim3A_46 {strides = array<i32>} : memref<128xf32, #tpu.memory_space<vmem>>, vector<16xf32>,
      %swap3A_144 = arith.constant 64 : index
      %swap3A_145 = tpu.vector_load %arg11[%swap3A_144] {strides = array<i32>} : memref<128xf32, #tpu.memory_space<vmem>>, vector<16xf32>,
      tpu.vector_store %arg11[%swap3A_144], %broadcast_in_dim3A_46 {strides = array<i32>} : memref<128xf32, #tpu.memory_space<vmem>>, vector<16xf32>,
      %swap3A_146 = arith.constant 80 : index
      %swap3A_147 = tpu.vector_load %arg10[%swap3A_146] {strides = array<i32>} : memref<128xf32, #tpu.memory_space<vmem>>, vector<16xf32>,
      tpu.vector_store %arg10[%swap3A_146], %broadcast_in_dim3A_46 {strides = array<i32>} : memref<128xf32, #tpu.memory_space<vmem>>, vector<16xf32>,
      %swap3A_148 = arith.constant 80 : index
      %swap3A_149 = tpu.vector_load %arg11[%swap3A_148] {strides = array<i32>} : memref<128xf32, #tpu.memory_space<vmem>>, vector<16xf32>,
      tpu.vector_store %arg11[%swap3A_148], %broadcast_in_dim3A_46 {strides = array<i32>} : memref<128xf32, #tpu.memory_space<vmem>>, vector<16xf32>,
      %swap3A_150 = arith.constant 96 : index
      %swap3A_151 = tpu.vector_load %arg10[%swap3A_150] {strides = array<i32>} : memref<128xf32, #tpu.memory_space<vmem>>, vector<16xf32>,
      tpu.vector_store %arg10[%swap3A_150], %broadcast_in_dim3A_46 {strides = array<i32>} : memref<128xf32, #tpu.memory_space<vmem>>, vector<16xf32>,
      %swap3A_152 = arith.constant 96 : index
      %swap3A_153 = tpu.vector_load %arg11[%swap3A_152] {strides = array<i32>} : memref<128xf32, #tpu.memory_space<vmem>>, vector<16xf32>,
      tpu.vector_store %arg11[%swap3A_152], %broadcast_in_dim3A_46 {strides = array<i32>} : memref<128xf32, #tpu.memory_space<vmem>>, vector<16xf32>,
      %get3A = arith.index_cast %scan3A_125 : i32 to index
      %get3A_154 = arith.constant 0 : index
      %get3A_155 = tpu.vector_load %arg6[%get3A, %get3A_154] {strides = array<i32>} : memref<32x200xf32, #tpu.memory_space<vmem>>, vector<16xf32>,
      %sign3A = tpu.bitcast %get3A_155 : vector<16xf32> -> vector<16xi32>
      %sign3A_156 = arith.constant -2147483648 : i32
      %sign3A_157 = vector.broadcast %sign3A_156 : i32 to vector<16xi32>
      %sign3A_158 = arith.andi %sign3A, %sign3A_157 : vector<16xi32>
      %sign3A_159 = arith.constant 1065353216 : i32
      %sign3A_160 = vector.broadcast %sign3A_159 : i32 to vector<16xi32>
      %sign3A_161 = arith.ori %sign3A_160, %sign3A_158 : vector<16xi32>
      %sign3A_162 = tpu.bitcast %sign3A_161 : vector<16xi32> -> vector<16xf32>
      %sign3A_163 = math.absf %get3A_155 : vector<16xf32>
      %sign3A_164 = arith.constant 0.000000e+00 : f32
      %sign3A_165 = vector.broadcast %sign3A_164 : f32 to vector<16xf32>
      %sign3A_166 = arith.cmpf ogt, %sign3A_163, %sign3A_165 : vector<16xf32>
      %sign3A_167 = arith.select %sign3A_166, %sign3A_162, %get3A_155 : vector<16xi1>, vector<16xf32>
      %abs3A = math.absf %get3A_155 : vector<16xf32>
      %exp3A = math.exp %abs3A : vector<16xf32>
      %sub3A = arith.constant 1.000000e+00 : f32
      %sub3A_168 = vector.broadcast %sub3A : f32 to vector<16xf32>
      %sub3A_169 = arith.subf %exp3A, %sub3A_168 : vector<16xf32>
      %mul3A_170 = arith.mulf %sign3A_167, %sub3A_169 : vector<16xf32>
      %get3A_171 = arith.index_cast %scan3A_125 : i32 to index
      %get3A_172 = arith.constant 0 : index
      %get3A_173 = tpu.vector_load %arg7[%get3A_171, %get3A_172] {strides = array<i32>} : memref<32x200xi32, #tpu.memory_space<vmem>>, vector<16xi32>,
      %jit3A = arith.constant 0 : i32
      %jit3A_174 = arith.constant 99 : i32
      %max3A = vector.broadcast %jit3A : i32 to vector<16xi32>
      %max3A_175 = arith.maxsi %max3A, %get3A_173 : vector<16xi32>
      %min3A = vector.broadcast %jit3A_174 : i32 to vector<16xi32>
      %min3A_176 = arith.minsi %min3A, %max3A_175 : vector<16xi32>
      %add3A_177 = arith.addf %broadcast_in_dim3A_46, %mul3A_170 : vector<16xf32>
      %mul3A_178 = arith.mulf %mul3A_170, %mul3A_170 : vector<16xf32>
      %add3A_179 = arith.addf %broadcast_in_dim3A_46, %mul3A_178 : vector<16xf32>
      %get3A_180 = arith.index_cast %scan3A_125 : i32 to index
      %get3A_181 = arith.constant 16 : index
      %get3A_182 = tpu.vector_load %arg6[%get3A_180, %get3A_181] {strides = array<i32>} : memref<32x200xf32, #tpu.memory_space<vmem>>, vector<16xf32>,
      %sign3A_183 = tpu.bitcast %get3A_182 : vector<16xf32> -> vector<16xi32>
      %sign3A_184 = arith.constant -2147483648 : i32
      %sign3A_185 = vector.broadcast %sign3A_184 : i32 to vector<16xi32>
      %sign3A_186 = arith.andi %sign3A_183, %sign3A_185 : vector<16xi32>
      %sign3A_187 = arith.constant 1065353216 : i32
      %sign3A_188 = vector.broadcast %sign3A_187 : i32 to vector<16xi32>
      %sign3A_189 = arith.ori %sign3A_188, %sign3A_186 : vector<16xi32>
      %sign3A_190 = tpu.bitcast %sign3A_189 : vector<16xi32> -> vector<16xf32>
      %sign3A_191 = math.absf %get3A_182 : vector<16xf32>
      %sign3A_192 = arith.constant 0.000000e+00 : f32
      %sign3A_193 = vector.broadcast %sign3A_192 : f32 to vector<16xf32>
      %sign3A_194 = arith.cmpf ogt, %sign3A_191, %sign3A_193 : vector<16xf32>
      %sign3A_195 = arith.select %sign3A_194, %sign3A_190, %get3A_182 : vector<16xi1>, vector<16xf32>
      %abs3A_196 = math.absf %get3A_182 : vector<16xf32>
      %exp3A_197 = math.exp %abs3A_196 : vector<16xf32>
      %sub3A_198 = arith.constant 1.000000e+00 : f32
      %sub3A_199 = vector.broadcast %sub3A_198 : f32 to vector<16xf32>
      %sub3A_200 = arith.subf %exp3A_197, %sub3A_199 : vector<16xf32>
      %mul3A_201 = arith.mulf %sign3A_195, %sub3A_200 : vector<16xf32>
      %get3A_202 = arith.index_cast %scan3A_125 : i32 to index
      %get3A_203 = arith.constant 16 : index
      %get3A_204 = tpu.vector_load %arg7[%get3A_202, %get3A_203] {strides = array<i32>} : memref<32x200xi32, #tpu.memory_space<vmem>>, vector<16xi32>,
      %jit3A_205 = arith.constant 0 : i32
      %jit3A_206 = arith.constant 99 : i32
      %max3A_207 = vector.broadcast %jit3A_205 : i32 to vector<16xi32>
      %max3A_208 = arith.maxsi %max3A_207, %get3A_204 : vector<16xi32>
      %min3A_209 = vector.broadcast %jit3A_206 : i32 to vector<16xi32>
      %min3A_210 = arith.minsi %min3A_209, %max3A_208 : vector<16xi32>
      %add3A_211 = arith.addf %add3A_177, %mul3A_201 : vector<16xf32>
      %mul3A_212 = arith.mulf %mul3A_201, %mul3A_201 : vector<16xf32>
      %add3A_213 = arith.addf %add3A_179, %mul3A_212 : vector<16xf32>
      %get3A_214 = arith.index_cast %scan3A_125 : i32 to index
      %get3A_215 = arith.constant 32 : index
      %get3A_216 = tpu.vector_load %arg6[%get3A_214, %get3A_215] {strides = array<i32>} : memref<32x200xf32, #tpu.memory_space<vmem>>, vector<16xf32>,
      %sign3A_217 = tpu.bitcast %get3A_216 : vector<16xf32> -> vector<16xi32>
      %sign3A_218 = arith.constant -2147483648 : i32
      %sign3A_219 = vector.broadcast %sign3A_218 : i32 to vector<16xi32>
      %sign3A_220 = arith.andi %sign3A_217, %sign3A_219 : vector<16xi32>
      %sign3A_221 = arith.constant 1065353216 : i32
      %sign3A_222 = vector.broadcast %sign3A_221 : i32 to vector<16xi32>
      %sign3A_223 = arith.ori %sign3A_222, %sign3A_220 : vector<16xi32>
      %sign3A_224 = tpu.bitcast %sign3A_223 : vector<16xi32> -> vector<16xf32>
      %sign3A_225 = math.absf %get3A_216 : vector<16xf32>
      %sign3A_226 = arith.constant 0.000000e+00 : f32
      %sign3A_227 = vector.broadcast %sign3A_226 : f32 to vector<16xf32>
      %sign3A_228 = arith.cmpf ogt, %sign3A_225, %sign3A_227 : vector<16xf32>
      %sign3A_229 = arith.select %sign3A_228, %sign3A_224, %get3A_216 : vector<16xi1>, vector<16xf32>
      %abs3A_230 = math.absf %get3A_216 : vector<16xf32>
      %exp3A_231 = math.exp %abs3A_230 : vector<16xf32>
      %sub3A_232 = arith.constant 1.000000e+00 : f32
      %sub3A_233 = vector.broadcast %sub3A_232 : f32 to vector<16xf32>
      %sub3A_234 = arith.subf %exp3A_231, %sub3A_233 : vector<16xf32>
      %mul3A_235 = arith.mulf %sign3A_229, %sub3A_234 : vector<16xf32>
      %get3A_236 = arith.index_cast %scan3A_125 : i32 to index
      %get3A_237 = arith.constant 32 : index
      %get3A_238 = tpu.vector_load %arg7[%get3A_236, %get3A_237] {strides = array<i32>} : memref<32x200xi32, #tpu.memory_space<vmem>>, vector<16xi32>,
      %jit3A_239 = arith.constant 0 : i32
      %jit3A_240 = arith.constant 99 : i32
      %max3A_241 = vector.broadcast %jit3A_239 : i32 to vector<16xi32>
      %max3A_242 = arith.maxsi %max3A_241, %get3A_238 : vector<16xi32>
      %min3A_243 = vector.broadcast %jit3A_240 : i32 to vector<16xi32>
      %min3A_244 = arith.minsi %min3A_243, %max3A_242 : vector<16xi32>
      %add3A_245 = arith.addf %add3A_211, %mul3A_235 : vector<16xf32>
      %mul3A_246 = arith.mulf %mul3A_235, %mul3A_235 : vector<16xf32>
      %add3A_247 = arith.addf %add3A_213, %mul3A_246 : vector<16xf32>
      %get3A_248 = arith.index_cast %scan3A_125 : i32 to index
      %get3A_249 = arith.constant 48 : index
      %get3A_250 = tpu.vector_load %arg6[%get3A_248, %get3A_249] {strides = array<i32>} : memref<32x200xf32, #tpu.memory_space<vmem>>, vector<16xf32>,
      %sign3A_251 = tpu.bitcast %get3A_250 : vector<16xf32> -> vector<16xi32>
      %sign3A_252 = arith.constant -2147483648 : i32
      %sign3A_253 = vector.broadcast %sign3A_252 : i32 to vector<16xi32>
      %sign3A_254 = arith.andi %sign3A_251, %sign3A_253 : vector<16xi32>
      %sign3A_255 = arith.constant 1065353216 : i32
      %sign3A_256 = vector.broadcast %sign3A_255 : i32 to vector<16xi32>
      %sign3A_257 = arith.ori %sign3A_256, %sign3A_254 : vector<16xi32>
      %sign3A_258 = tpu.bitcast %sign3A_257 : vector<16xi32> -> vector<16xf32>
      %sign3A_259 = math.absf %get3A_250 : vector<16xf32>
      %sign3A_260 = arith.constant 0.000000e+00 : f32
      %sign3A_261 = vector.broadcast %sign3A_260 : f32 to vector<16xf32>
      %sign3A_262 = arith.cmpf ogt, %sign3A_259, %sign3A_261 : vector<16xf32>
      %sign3A_263 = arith.select %sign3A_262, %sign3A_258, %get3A_250 : vector<16xi1>, vector<16xf32>
      %abs3A_264 = math.absf %get3A_250 : vector<16xf32>
      %exp3A_265 = math.exp %abs3A_264 : vector<16xf32>
      %sub3A_266 = arith.constant 1.000000e+00 : f32
      %sub3A_267 = vector.broadcast %sub3A_266 : f32 to vector<16xf32>
      %sub3A_268 = arith.subf %exp3A_265, %sub3A_267 : vector<16xf32>
      %mul3A_269 = arith.mulf %sign3A_263, %sub3A_268 : vector<16xf32>
      %get3A_270 = arith.index_cast %scan3A_125 : i32 to index
      %get3A_271 = arith.constant 48 : index
      %get3A_272 = tpu.vector_load %arg7[%get3A_270, %get3A_271] {strides = array<i32>} : memref<32x200xi32, #tpu.memory_space<vmem>>, vector<16xi32>,
      %jit3A_273 = arith.constant 0 : i32
      %jit3A_274 = arith.constant 99 : i32
      %max3A_275 = vector.broadcast %jit3A_273 : i32 to vector<16xi32>
      %max3A_276 = arith.maxsi %max3A_275, %get3A_272 : vector<16xi32>
      %min3A_277 = vector.broadcast %jit3A_274 : i32 to vector<16xi32>
      %min3A_278 = arith.minsi %min3A_277, %max3A_276 : vector<16xi32>
      %add3A_279 = arith.addf %add3A_245, %mul3A_269 : vector<16xf32>
      %mul3A_280 = arith.mulf %mul3A_269, %mul3A_269 : vector<16xf32>
      %add3A_281 = arith.addf %add3A_247, %mul3A_280 : vector<16xf32>
      %get3A_282 = arith.index_cast %scan3A_125 : i32 to index
      %get3A_283 = arith.constant 64 : index
      %get3A_284 = tpu.vector_load %arg6[%get3A_282, %get3A_283] {strides = array<i32>} : memref<32x200xf32, #tpu.memory_space<vmem>>, vector<16xf32>,
      %sign3A_285 = tpu.bitcast %get3A_284 : vector<16xf32> -> vector<16xi32>
      %sign3A_286 = arith.constant -2147483648 : i32
      %sign3A_287 = vector.broadcast %sign3A_286 : i32 to vector<16xi32>
      %sign3A_288 = arith.andi %sign3A_285, %sign3A_287 : vector<16xi32>
      %sign3A_289 = arith.constant 1065353216 : i32
      %sign3A_290 = vector.broadcast %sign3A_289 : i32 to vector<16xi32>
      %sign3A_291 = arith.ori %sign3A_290, %sign3A_288 : vector<16xi32>
      %sign3A_292 = tpu.bitcast %sign3A_291 : vector<16xi32> -> vector<16xf32>
      %sign3A_293 = math.absf %get3A_284 : vector<16xf32>
      %sign3A_294 = arith.constant 0.000000e+00 : f32
      %sign3A_295 = vector.broadcast %sign3A_294 : f32 to vector<16xf32>
      %sign3A_296 = arith.cmpf ogt, %sign3A_293, %sign3A_295 : vector<16xf32>
      %sign3A_297 = arith.select %sign3A_296, %sign3A_292, %get3A_284 : vector<16xi1>, vector<16xf32>
      %abs3A_298 = math.absf %get3A_284 : vector<16xf32>
      %exp3A_299 = math.exp %abs3A_298 : vector<16xf32>
      %sub3A_300 = arith.constant 1.000000e+00 : f32
      %sub3A_301 = vector.broadcast %sub3A_300 : f32 to vector<16xf32>
      %sub3A_302 = arith.subf %exp3A_299, %sub3A_301 : vector<16xf32>
      %mul3A_303 = arith.mulf %sign3A_297, %sub3A_302 : vector<16xf32>
      %get3A_304 = arith.index_cast %scan3A_125 : i32 to index
      %get3A_305 = arith.constant 64 : index
      %get3A_306 = tpu.vector_load %arg7[%get3A_304, %get3A_305] {strides = array<i32>} : memref<32x200xi32, #tpu.memory_space<vmem>>, vector<16xi32>,
      %jit3A_307 = arith.constant 0 : i32
      %jit3A_308 = arith.constant 99 : i32
      %max3A_309 = vector.broadcast %jit3A_307 : i32 to vector<16xi32>
      %max3A_310 = arith.maxsi %max3A_309, %get3A_306 : vector<16xi32>
      %min3A_311 = vector.broadcast %jit3A_308 : i32 to vector<16xi32>
      %min3A_312 = arith.minsi %min3A_311, %max3A_310 : vector<16xi32>
      %add3A_313 = arith.addf %add3A_279, %mul3A_303 : vector<16xf32>
      %mul3A_314 = arith.mulf %mul3A_303, %mul3A_303 : vector<16xf32>
      %add3A_315 = arith.addf %add3A_281, %mul3A_314 : vector<16xf32>
      %get3A_316 = arith.index_cast %scan3A_125 : i32 to index
      %get3A_317 = arith.constant 80 : index
      %get3A_318 = tpu.vector_load %arg6[%get3A_316, %get3A_317] {strides = array<i32>} : memref<32x200xf32, #tpu.memory_space<vmem>>, vector<16xf32>,
      %sign3A_319 = tpu.bitcast %get3A_318 : vector<16xf32> -> vector<16xi32>
      %sign3A_320 = arith.constant -2147483648 : i32
      %sign3A_321 = vector.broadcast %sign3A_320 : i32 to vector<16xi32>
      %sign3A_322 = arith.andi %sign3A_319, %sign3A_321 : vector<16xi32>
      %sign3A_323 = arith.constant 1065353216 : i32
      %sign3A_324 = vector.broadcast %sign3A_323 : i32 to vector<16xi32>
      %sign3A_325 = arith.ori %sign3A_324, %sign3A_322 : vector<16xi32>
      %sign3A_326 = tpu.bitcast %sign3A_325 : vector<16xi32> -> vector<16xf32>
      %sign3A_327 = math.absf %get3A_318 : vector<16xf32>
      %sign3A_328 = arith.constant 0.000000e+00 : f32
      %sign3A_329 = vector.broadcast %sign3A_328 : f32 to vector<16xf32>
      %sign3A_330 = arith.cmpf ogt, %sign3A_327, %sign3A_329 : vector<16xf32>
      %sign3A_331 = arith.select %sign3A_330, %sign3A_326, %get3A_318 : vector<16xi1>, vector<16xf32>
      %abs3A_332 = math.absf %get3A_318 : vector<16xf32>
      %exp3A_333 = math.exp %abs3A_332 : vector<16xf32>
      %sub3A_334 = arith.constant 1.000000e+00 : f32
      %sub3A_335 = vector.broadcast %sub3A_334 : f32 to vector<16xf32>
      %sub3A_336 = arith.subf %exp3A_333, %sub3A_335 : vector<16xf32>
      %mul3A_337 = arith.mulf %sign3A_331, %sub3A_336 : vector<16xf32>
      %get3A_338 = arith.index_cast %scan3A_125 : i32 to index
      %get3A_339 = arith.constant 80 : index
      %get3A_340 = tpu.vector_load %arg7[%get3A_338, %get3A_339] {strides = array<i32>} : memref<32x200xi32, #tpu.memory_space<vmem>>, vector<16xi32>,
      %jit3A_341 = arith.constant 0 : i32
      %jit3A_342 = arith.constant 99 : i32
      %max3A_343 = vector.broadcast %jit3A_341 : i32 to vector<16xi32>
      %max3A_344 = arith.maxsi %max3A_343, %get3A_340 : vector<16xi32>
      %min3A_345 = vector.broadcast %jit3A_342 : i32 to vector<16xi32>
      %min3A_346 = arith.minsi %min3A_345, %max3A_344 : vector<16xi32>
      %add3A_347 = arith.addf %add3A_313, %mul3A_337 : vector<16xf32>
      %mul3A_348 = arith.mulf %mul3A_337, %mul3A_337 : vector<16xf32>
      %add3A_349 = arith.addf %add3A_315, %mul3A_348 : vector<16xf32>
      %get3A_350 = arith.index_cast %scan3A_125 : i32 to index
      %get3A_351 = arith.constant 96 : index
      %get3A_352 = tpu.vector_load %arg6[%get3A_350, %get3A_351] {strides = array<i32>} : memref<32x200xf32, #tpu.memory_space<vmem>>, vector<16xf32>,
      %sign3A_353 = tpu.bitcast %get3A_352 : vector<16xf32> -> vector<16xi32>
      %sign3A_354 = arith.constant -2147483648 : i32
      %sign3A_355 = vector.broadcast %sign3A_354 : i32 to vector<16xi32>
      %sign3A_356 = arith.andi %sign3A_353, %sign3A_355 : vector<16xi32>
      %sign3A_357 = arith.constant 1065353216 : i32
      %sign3A_358 = vector.broadcast %sign3A_357 : i32 to vector<16xi32>
      %sign3A_359 = arith.ori %sign3A_358, %sign3A_356 : vector<16xi32>
      %sign3A_360 = tpu.bitcast %sign3A_359 : vector<16xi32> -> vector<16xf32>
      %sign3A_361 = math.absf %get3A_352 : vector<16xf32>
      %sign3A_362 = arith.constant 0.000000e+00 : f32
      %sign3A_363 = vector.broadcast %sign3A_362 : f32 to vector<16xf32>
      %sign3A_364 = arith.cmpf ogt, %sign3A_361, %sign3A_363 : vector<16xf32>
      %sign3A_365 = arith.select %sign3A_364, %sign3A_360, %get3A_352 : vector<16xi1>, vector<16xf32>
      %abs3A_366 = math.absf %get3A_352 : vector<16xf32>
      %exp3A_367 = math.exp %abs3A_366 : vector<16xf32>
      %sub3A_368 = arith.constant 1.000000e+00 : f32
      %sub3A_369 = vector.broadcast %sub3A_368 : f32 to vector<16xf32>
      %sub3A_370 = arith.subf %exp3A_367, %sub3A_369 : vector<16xf32>
      %mul3A_371 = arith.mulf %sign3A_365, %sub3A_370 : vector<16xf32>
      %get3A_372 = arith.index_cast %scan3A_125 : i32 to index
      %get3A_373 = arith.constant 96 : index
      %get3A_374 = tpu.vector_load %arg7[%get3A_372, %get3A_373] {strides = array<i32>} : memref<32x200xi32, #tpu.memory_space<vmem>>, vector<16xi32>,
      %jit3A_375 = arith.constant 0 : i32
      %jit3A_376 = arith.constant 99 : i32
      %max3A_377 = vector.broadcast %jit3A_375 : i32 to vector<16xi32>
      %max3A_378 = arith.maxsi %max3A_377, %get3A_374 : vector<16xi32>
      %min3A_379 = vector.broadcast %jit3A_376 : i32 to vector<16xi32>
      %min3A_380 = arith.minsi %min3A_379, %max3A_378 : vector<16xi32>
      %add3A_381 = arith.addf %add3A_347, %mul3A_371 : vector<16xf32>
      %mul3A_382 = arith.mulf %mul3A_371, %mul3A_371 : vector<16xf32>
      %add3A_383 = arith.addf %add3A_349, %mul3A_382 : vector<16xf32>
      %get3A_384 = arith.index_cast %scan3A_125 : i32 to index
      %get3A_385 = arith.constant 112 : index
      %get3A_386 = tpu.vector_load %arg6[%get3A_384, %get3A_385] {strides = array<i32>} : memref<32x200xf32, #tpu.memory_space<vmem>>, vector<16xf32>,
      %sign3A_387 = tpu.bitcast %get3A_386 : vector<16xf32> -> vector<16xi32>
      %sign3A_388 = arith.constant -2147483648 : i32
      %sign3A_389 = vector.broadcast %sign3A_388 : i32 to vector<16xi32>
      %sign3A_390 = arith.andi %sign3A_387, %sign3A_389 : vector<16xi32>
      %sign3A_391 = arith.constant 1065353216 : i32
      %sign3A_392 = vector.broadcast %sign3A_391 : i32 to vector<16xi32>
      %sign3A_393 = arith.ori %sign3A_392, %sign3A_390 : vector<16xi32>
      %sign3A_394 = tpu.bitcast %sign3A_393 : vector<16xi32> -> vector<16xf32>
      %sign3A_395 = math.absf %get3A_386 : vector<16xf32>
      %sign3A_396 = arith.constant 0.000000e+00 : f32
      %sign3A_397 = vector.broadcast %sign3A_396 : f32 to vector<16xf32>
      %sign3A_398 = arith.cmpf ogt, %sign3A_395, %sign3A_397 : vector<16xf32>
      %sign3A_399 = arith.select %sign3A_398, %sign3A_394, %get3A_386 : vector<16xi1>, vector<16xf32>
      %abs3A_400 = math.absf %get3A_386 : vector<16xf32>
      %exp3A_401 = math.exp %abs3A_400 : vector<16xf32>
      %sub3A_402 = arith.constant 1.000000e+00 : f32
      %sub3A_403 = vector.broadcast %sub3A_402 : f32 to vector<16xf32>
      %sub3A_404 = arith.subf %exp3A_401, %sub3A_403 : vector<16xf32>
      %mul3A_405 = arith.mulf %sign3A_399, %sub3A_404 : vector<16xf32>
      %get3A_406 = arith.index_cast %scan3A_125 : i32 to index
      %get3A_407 = arith.constant 112 : index
      %get3A_408 = tpu.vector_load %arg7[%get3A_406, %get3A_407] {strides = array<i32>} : memref<32x200xi32, #tpu.memory_space<vmem>>, vector<16xi32>,
      %jit3A_409 = arith.constant 0 : i32
      %jit3A_410 = arith.constant 99 : i32
      %max3A_411 = vector.broadcast %jit3A_409 : i32 to vector<16xi32>
      %max3A_412 = arith.maxsi %max3A_411, %get3A_408 : vector<16xi32>
      %min3A_413 = vector.broadcast %jit3A_410 : i32 to vector<16xi32>
      %min3A_414 = arith.minsi %min3A_413, %max3A_412 : vector<16xi32>
      %add3A_415 = arith.addf %add3A_381, %mul3A_405 : vector<16xf32>
      %mul3A_416 = arith.mulf %mul3A_405, %mul3A_405 : vector<16xf32>
      %add3A_417 = arith.addf %add3A_383, %mul3A_416 : vector<16xf32>
      %get3A_418 = arith.index_cast %scan3A_125 : i32 to index
      %get3A_419 = arith.constant 128 : index
      %get3A_420 = tpu.vector_load %arg6[%get3A_418, %get3A_419] {strides = array<i32>} : memref<32x200xf32, #tpu.memory_space<vmem>>, vector<16xf32>,
      %sign3A_421 = tpu.bitcast %get3A_420 : vector<16xf32> -> vector<16xi32>
      %sign3A_422 = arith.constant -2147483648 : i32
      %sign3A_423 = vector.broadcast %sign3A_422 : i32 to vector<16xi32>
      %sign3A_424 = arith.andi %sign3A_421, %sign3A_423 : vector<16xi32>
      %sign3A_425 = arith.constant 1065353216 : i32
      %sign3A_426 = vector.broadcast %sign3A_425 : i32 to vector<16xi32>
      %sign3A_427 = arith.ori %sign3A_426, %sign3A_424 : vector<16xi32>
      %sign3A_428 = tpu.bitcast %sign3A_427 : vector<16xi32> -> vector<16xf32>
      %sign3A_429 = math.absf %get3A_420 : vector<16xf32>
      %sign3A_430 = arith.constant 0.000000e+00 : f32
      %sign3A_431 = vector.broadcast %sign3A_430 : f32 to vector<16xf32>
      %sign3A_432 = arith.cmpf ogt, %sign3A_429, %sign3A_431 : vector<16xf32>
      %sign3A_433 = arith.select %sign3A_432, %sign3A_428, %get3A_420 : vector<16xi1>, vector<16xf32>
      %abs3A_434 = math.absf %get3A_420 : vector<16xf32>
      %exp3A_435 = math.exp %abs3A_434 : vector<16xf32>
      %sub3A_436 = arith.constant 1.000000e+00 : f32
      %sub3A_437 = vector.broadcast %sub3A_436 : f32 to vector<16xf32>
      %sub3A_438 = arith.subf %exp3A_435, %sub3A_437 : vector<16xf32>
      %mul3A_439 = arith.mulf %sign3A_433, %sub3A_438 : vector<16xf32>
      %get3A_440 = arith.index_cast %scan3A_125 : i32 to index
      %get3A_441 = arith.constant 128 : index
      %get3A_442 = tpu.vector_load %arg7[%get3A_440, %get3A_441] {strides = array<i32>} : memref<32x200xi32, #tpu.memory_space<vmem>>, vector<16xi32>,
      %jit3A_443 = arith.constant 0 : i32
      %jit3A_444 = arith.constant 99 : i32
      %max3A_445 = vector.broadcast %jit3A_443 : i32 to vector<16xi32>
      %max3A_446 = arith.maxsi %max3A_445, %get3A_442 : vector<16xi32>
      %min3A_447 = vector.broadcast %jit3A_444 : i32 to vector<16xi32>
      %min3A_448 = arith.minsi %min3A_447, %max3A_446 : vector<16xi32>
      %add3A_449 = arith.addf %add3A_415, %mul3A_439 : vector<16xf32>
      %mul3A_450 = arith.mulf %mul3A_439, %mul3A_439 : vector<16xf32>
      %add3A_451 = arith.addf %add3A_417, %mul3A_450 : vector<16xf32>
      %get3A_452 = arith.index_cast %scan3A_125 : i32 to index
      %get3A_453 = arith.constant 144 : index
      %get3A_454 = tpu.vector_load %arg6[%get3A_452, %get3A_453] {strides = array<i32>} : memref<32x200xf32, #tpu.memory_space<vmem>>, vector<16xf32>,
      %sign3A_455 = tpu.bitcast %get3A_454 : vector<16xf32> -> vector<16xi32>
      %sign3A_456 = arith.constant -2147483648 : i32
      %sign3A_457 = vector.broadcast %sign3A_456 : i32 to vector<16xi32>
      %sign3A_458 = arith.andi %sign3A_455, %sign3A_457 : vector<16xi32>
      %sign3A_459 = arith.constant 1065353216 : i32
      %sign3A_460 = vector.broadcast %sign3A_459 : i32 to vector<16xi32>
      %sign3A_461 = arith.ori %sign3A_460, %sign3A_458 : vector<16xi32>
      %sign3A_462 = tpu.bitcast %sign3A_461 : vector<16xi32> -> vector<16xf32>
      %sign3A_463 = math.absf %get3A_454 : vector<16xf32>
      %sign3A_464 = arith.constant 0.000000e+00 : f32
      %sign3A_465 = vector.broadcast %sign3A_464 : f32 to vector<16xf32>
      %sign3A_466 = arith.cmpf ogt, %sign3A_463, %sign3A_465 : vector<16xf32>
      %sign3A_467 = arith.select %sign3A_466, %sign3A_462, %get3A_454 : vector<16xi1>, vector<16xf32>
      %abs3A_468 = math.absf %get3A_454 : vector<16xf32>
      %exp3A_469 = math.exp %abs3A_468 : vector<16xf32>
      %sub3A_470 = arith.constant 1.000000e+00 : f32
      %sub3A_471 = vector.broadcast %sub3A_470 : f32 to vector<16xf32>
      %sub3A_472 = arith.subf %exp3A_469, %sub3A_471 : vector<16xf32>
      %mul3A_473 = arith.mulf %sign3A_467, %sub3A_472 : vector<16xf32>
      %get3A_474 = arith.index_cast %scan3A_125 : i32 to index
      %get3A_475 = arith.constant 144 : index
      %get3A_476 = tpu.vector_load %arg7[%get3A_474, %get3A_475] {strides = array<i32>} : memref<32x200xi32, #tpu.memory_space<vmem>>, vector<16xi32>,
      %jit3A_477 = arith.constant 0 : i32
      %jit3A_478 = arith.constant 99 : i32
      %max3A_479 = vector.broadcast %jit3A_477 : i32 to vector<16xi32>
      %max3A_480 = arith.maxsi %max3A_479, %get3A_476 : vector<16xi32>
      %min3A_481 = vector.broadcast %jit3A_478 : i32 to vector<16xi32>
      %min3A_482 = arith.minsi %min3A_481, %max3A_480 : vector<16xi32>
      %add3A_483 = arith.addf %add3A_449, %mul3A_473 : vector<16xf32>
      %mul3A_484 = arith.mulf %mul3A_473, %mul3A_473 : vector<16xf32>
      %add3A_485 = arith.addf %add3A_451, %mul3A_484 : vector<16xf32>
      %get3A_486 = arith.index_cast %scan3A_125 : i32 to index
      %get3A_487 = arith.constant 160 : index
      %get3A_488 = tpu.vector_load %arg6[%get3A_486, %get3A_487] {strides = array<i32>} : memref<32x200xf32, #tpu.memory_space<vmem>>, vector<16xf32>,
      %sign3A_489 = tpu.bitcast %get3A_488 : vector<16xf32> -> vector<16xi32>
      %sign3A_490 = arith.constant -2147483648 : i32
      %sign3A_491 = vector.broadcast %sign3A_490 : i32 to vector<16xi32>
      %sign3A_492 = arith.andi %sign3A_489, %sign3A_491 : vector<16xi32>
      %sign3A_493 = arith.constant 1065353216 : i32
      %sign3A_494 = vector.broadcast %sign3A_493 : i32 to vector<16xi32>
      %sign3A_495 = arith.ori %sign3A_494, %sign3A_492 : vector<16xi32>
      %sign3A_496 = tpu.bitcast %sign3A_495 : vector<16xi32> -> vector<16xf32>
      %sign3A_497 = math.absf %get3A_488 : vector<16xf32>
      %sign3A_498 = arith.constant 0.000000e+00 : f32
      %sign3A_499 = vector.broadcast %sign3A_498 : f32 to vector<16xf32>
      %sign3A_500 = arith.cmpf ogt, %sign3A_497, %sign3A_499 : vector<16xf32>
      %sign3A_501 = arith.select %sign3A_500, %sign3A_496, %get3A_488 : vector<16xi1>, vector<16xf32>
      %abs3A_502 = math.absf %get3A_488 : vector<16xf32>
      %exp3A_503 = math.exp %abs3A_502 : vector<16xf32>
      %sub3A_504 = arith.constant 1.000000e+00 : f32
      %sub3A_505 = vector.broadcast %sub3A_504 : f32 to vector<16xf32>
      %sub3A_506 = arith.subf %exp3A_503, %sub3A_505 : vector<16xf32>
      %mul3A_507 = arith.mulf %sign3A_501, %sub3A_506 : vector<16xf32>
      %get3A_508 = arith.index_cast %scan3A_125 : i32 to index
      %get3A_509 = arith.constant 160 : index
      %get3A_510 = tpu.vector_load %arg7[%get3A_508, %get3A_509] {strides = array<i32>} : memref<32x200xi32, #tpu.memory_space<vmem>>, vector<16xi32>,
      %jit3A_511 = arith.constant 0 : i32
      %jit3A_512 = arith.constant 99 : i32
      %max3A_513 = vector.broadcast %jit3A_511 : i32 to vector<16xi32>
      %max3A_514 = arith.maxsi %max3A_513, %get3A_510 : vector<16xi32>
      %min3A_515 = vector.broadcast %jit3A_512 : i32 to vector<16xi32>
      %min3A_516 = arith.minsi %min3A_515, %max3A_514 : vector<16xi32>
      %add3A_517 = arith.addf %add3A_483, %mul3A_507 : vector<16xf32>
      %mul3A_518 = arith.mulf %mul3A_507, %mul3A_507 : vector<16xf32>
      %add3A_519 = arith.addf %add3A_485, %mul3A_518 : vector<16xf32>
      %get3A_520 = arith.index_cast %scan3A_125 : i32 to index
      %get3A_521 = arith.constant 176 : index
      %get3A_522 = tpu.vector_load %arg6[%get3A_520, %get3A_521] {strides = array<i32>} : memref<32x200xf32, #tpu.memory_space<vmem>>, vector<16xf32>,
      %sign3A_523 = tpu.bitcast %get3A_522 : vector<16xf32> -> vector<16xi32>
      %sign3A_524 = arith.constant -2147483648 : i32
      %sign3A_525 = vector.broadcast %sign3A_524 : i32 to vector<16xi32>
      %sign3A_526 = arith.andi %sign3A_523, %sign3A_525 : vector<16xi32>
      %sign3A_527 = arith.constant 1065353216 : i32
      %sign3A_528 = vector.broadcast %sign3A_527 : i32 to vector<16xi32>
      %sign3A_529 = arith.ori %sign3A_528, %sign3A_526 : vector<16xi32>
      %sign3A_530 = tpu.bitcast %sign3A_529 : vector<16xi32> -> vector<16xf32>
      %sign3A_531 = math.absf %get3A_522 : vector<16xf32>
      %sign3A_532 = arith.constant 0.000000e+00 : f32
      %sign3A_533 = vector.broadcast %sign3A_532 : f32 to vector<16xf32>
      %sign3A_534 = arith.cmpf ogt, %sign3A_531, %sign3A_533 : vector<16xf32>
      %sign3A_535 = arith.select %sign3A_534, %sign3A_530, %get3A_522 : vector<16xi1>, vector<16xf32>
      %abs3A_536 = math.absf %get3A_522 : vector<16xf32>
      %exp3A_537 = math.exp %abs3A_536 : vector<16xf32>
      %sub3A_538 = arith.constant 1.000000e+00 : f32
      %sub3A_539 = vector.broadcast %sub3A_538 : f32 to vector<16xf32>
      %sub3A_540 = arith.subf %exp3A_537, %sub3A_539 : vector<16xf32>
      %mul3A_541 = arith.mulf %sign3A_535, %sub3A_540 : vector<16xf32>
      %get3A_542 = arith.index_cast %scan3A_125 : i32 to index
      %get3A_543 = arith.constant 176 : index
      %get3A_544 = tpu.vector_load %arg7[%get3A_542, %get3A_543] {strides = array<i32>} : memref<32x200xi32, #tpu.memory_space<vmem>>, vector<16xi32>,
      %jit3A_545 = arith.constant 0 : i32
      %jit3A_546 = arith.constant 99 : i32
      %max3A_547 = vector.broadcast %jit3A_545 : i32 to vector<16xi32>
      %max3A_548 = arith.maxsi %max3A_547, %get3A_544 : vector<16xi32>
      %min3A_549 = vector.broadcast %jit3A_546 : i32 to vector<16xi32>
      %min3A_550 = arith.minsi %min3A_549, %max3A_548 : vector<16xi32>
      %add3A_551 = arith.addf %add3A_517, %mul3A_541 : vector<16xf32>
      %mul3A_552 = arith.mulf %mul3A_541, %mul3A_541 : vector<16xf32>
      %add3A_553 = arith.addf %add3A_519, %mul3A_552 : vector<16xf32>
      %get3A_554 = arith.index_cast %scan3A_125 : i32 to index
      %get3A_555 = arith.constant 184 : index
      %get3A_556 = tpu.vector_load %arg6[%get3A_554, %get3A_555] {strides = array<i32>} : memref<32x200xf32, #tpu.memory_space<vmem>>, vector<16xf32>,
      %sign3A_557 = tpu.bitcast %get3A_556 : vector<16xf32> -> vector<16xi32>
      %sign3A_558 = arith.constant -2147483648 : i32
      %sign3A_559 = vector.broadcast %sign3A_558 : i32 to vector<16xi32>
      %sign3A_560 = arith.andi %sign3A_557, %sign3A_559 : vector<16xi32>
      %sign3A_561 = arith.constant 1065353216 : i32
      %sign3A_562 = vector.broadcast %sign3A_561 : i32 to vector<16xi32>
      %sign3A_563 = arith.ori %sign3A_562, %sign3A_560 : vector<16xi32>
      %sign3A_564 = tpu.bitcast %sign3A_563 : vector<16xi32> -> vector<16xf32>
      %sign3A_565 = math.absf %get3A_556 : vector<16xf32>
      %sign3A_566 = arith.constant 0.000000e+00 : f32
      %sign3A_567 = vector.broadcast %sign3A_566 : f32 to vector<16xf32>
      %sign3A_568 = arith.cmpf ogt, %sign3A_565, %sign3A_567 : vector<16xf32>
      %sign3A_569 = arith.select %sign3A_568, %sign3A_564, %get3A_556 : vector<16xi1>, vector<16xf32>
      %abs3A_570 = math.absf %get3A_556 : vector<16xf32>
      %exp3A_571 = math.exp %abs3A_570 : vector<16xf32>
      %sub3A_572 = arith.constant 1.000000e+00 : f32
      %sub3A_573 = vector.broadcast %sub3A_572 : f32 to vector<16xf32>
      %sub3A_574 = arith.subf %exp3A_571, %sub3A_573 : vector<16xf32>
      %mul3A_575 = arith.mulf %sign3A_569, %sub3A_574 : vector<16xf32>
      %get3A_576 = arith.index_cast %scan3A_125 : i32 to index
      %get3A_577 = arith.constant 184 : index
      %get3A_578 = tpu.vector_load %arg7[%get3A_576, %get3A_577] {strides = array<i32>} : memref<32x200xi32, #tpu.memory_space<vmem>>, vector<16xi32>,
      %jit3A_579 = arith.constant 0 : i32
      %jit3A_580 = arith.constant 99 : i32
      %max3A_581 = vector.broadcast %jit3A_579 : i32 to vector<16xi32>
      %max3A_582 = arith.maxsi %max3A_581, %get3A_578 : vector<16xi32>
      %min3A_583 = vector.broadcast %jit3A_580 : i32 to vector<16xi32>
      %min3A_584 = arith.minsi %min3A_583, %max3A_582 : vector<16xi32>
      %jit3A_585 = arith.constant 0.000000e+00 : f32
      %broadcast_in_dim3A_586 = vector.broadcast %jit3A_585 : f32 to vector<16xf32>
      %select_n3A = arith.select %ge3A_50, %mul3A_575, %broadcast_in_dim3A_586 : vector<16xi1>, vector<16xf32>
      %jit3A_587 = arith.constant 0 : i32
      %broadcast_in_dim3A_588 = vector.broadcast %jit3A_587 : i32 to vector<16xi32>
      %select_n3A_589 = arith.select %ge3A_50, %min3A_584, %broadcast_in_dim3A_588 : vector<16xi1>, vector<16xi32>
      %add3A_590 = arith.addf %add3A_551, %select_n3A : vector<16xf32>
      %mul3A_591 = arith.mulf %select_n3A, %select_n3A : vector<16xf32>
      %add3A_592 = arith.addf %add3A_553, %mul3A_591 : vector<16xf32>
      tpu.vector_store_idx %arg10[%min3A_176], %broadcast_in_dim3A_48 {add = true} : memref<128xf32, #tpu.memory_space<vmem>>[vector<16xi32>], vector<16xf32>,
      tpu.vector_store_idx %arg11[%min3A_176], %mul3A_170 {add = true} : memref<128xf32, #tpu.memory_space<vmem>>[vector<16xi32>], vector<16xf32>,
      tpu.vector_store_idx %arg10[%min3A_210], %broadcast_in_dim3A_48 {add = true} : memref<128xf32, #tpu.memory_space<vmem>>[vector<16xi32>], vector<16xf32>,
      tpu.vector_store_idx %arg11[%min3A_210], %mul3A_201 {add = true} : memref<128xf32, #tpu.memory_space<vmem>>[vector<16xi32>], vector<16xf32>,
      tpu.vector_store_idx %arg10[%min3A_244], %broadcast_in_dim3A_48 {add = true} : memref<128xf32, #tpu.memory_space<vmem>>[vector<16xi32>], vector<16xf32>,
      tpu.vector_store_idx %arg11[%min3A_244], %mul3A_235 {add = true} : memref<128xf32, #tpu.memory_space<vmem>>[vector<16xi32>], vector<16xf32>,
      tpu.vector_store_idx %arg10[%min3A_278], %broadcast_in_dim3A_48 {add = true} : memref<128xf32, #tpu.memory_space<vmem>>[vector<16xi32>], vector<16xf32>,
      tpu.vector_store_idx %arg11[%min3A_278], %mul3A_269 {add = true} : memref<128xf32, #tpu.memory_space<vmem>>[vector<16xi32>], vector<16xf32>,
      tpu.vector_store_idx %arg10[%min3A_312], %broadcast_in_dim3A_48 {add = true} : memref<128xf32, #tpu.memory_space<vmem>>[vector<16xi32>], vector<16xf32>,
      tpu.vector_store_idx %arg11[%min3A_312], %mul3A_303 {add = true} : memref<128xf32, #tpu.memory_space<vmem>>[vector<16xi32>], vector<16xf32>,
      tpu.vector_store_idx %arg10[%min3A_346], %broadcast_in_dim3A_48 {add = true} : memref<128xf32, #tpu.memory_space<vmem>>[vector<16xi32>], vector<16xf32>,
      tpu.vector_store_idx %arg11[%min3A_346], %mul3A_337 {add = true} : memref<128xf32, #tpu.memory_space<vmem>>[vector<16xi32>], vector<16xf32>,
      tpu.vector_store_idx %arg10[%min3A_380], %broadcast_in_dim3A_48 {add = true} : memref<128xf32, #tpu.memory_space<vmem>>[vector<16xi32>], vector<16xf32>,
      tpu.vector_store_idx %arg11[%min3A_380], %mul3A_371 {add = true} : memref<128xf32, #tpu.memory_space<vmem>>[vector<16xi32>], vector<16xf32>,
      tpu.vector_store_idx %arg10[%min3A_414], %broadcast_in_dim3A_48 {add = true} : memref<128xf32, #tpu.memory_space<vmem>>[vector<16xi32>], vector<16xf32>,
      tpu.vector_store_idx %arg11[%min3A_414], %mul3A_405 {add = true} : memref<128xf32, #tpu.memory_space<vmem>>[vector<16xi32>], vector<16xf32>,
      tpu.vector_store_idx %arg10[%min3A_448], %broadcast_in_dim3A_48 {add = true} : memref<128xf32, #tpu.memory_space<vmem>>[vector<16xi32>], vector<16xf32>,
      tpu.vector_store_idx %arg11[%min3A_448], %mul3A_439 {add = true} : memref<128xf32, #tpu.memory_space<vmem>>[vector<16xi32>], vector<16xf32>,
      tpu.vector_store_idx %arg10[%min3A_482], %broadcast_in_dim3A_48 {add = true} : memref<128xf32, #tpu.memory_space<vmem>>[vector<16xi32>], vector<16xf32>,
      tpu.vector_store_idx %arg11[%min3A_482], %mul3A_473 {add = true} : memref<128xf32, #tpu.memory_space<vmem>>[vector<16xi32>], vector<16xf32>,
      tpu.vector_store_idx %arg10[%min3A_516], %broadcast_in_dim3A_48 {add = true} : memref<128xf32, #tpu.memory_space<vmem>>[vector<16xi32>], vector<16xf32>,
      tpu.vector_store_idx %arg11[%min3A_516], %mul3A_507 {add = true} : memref<128xf32, #tpu.memory_space<vmem>>[vector<16xi32>], vector<16xf32>,
      tpu.vector_store_idx %arg10[%min3A_550], %broadcast_in_dim3A_48 {add = true} : memref<128xf32, #tpu.memory_space<vmem>>[vector<16xi32>], vector<16xf32>,
      tpu.vector_store_idx %arg11[%min3A_550], %mul3A_541 {add = true} : memref<128xf32, #tpu.memory_space<vmem>>[vector<16xi32>], vector<16xf32>,
      tpu.vector_store_idx %arg10[%select_n3A_589], %broadcast_in_dim3A_48 {add = true} : memref<128xf32, #tpu.memory_space<vmem>>[vector<16xi32>], vector<16xf32>,
      tpu.vector_store_idx %arg11[%min3A_584], %select_n3A {add = true} : memref<128xf32, #tpu.memory_space<vmem>>[vector<16xi32>], vector<16xf32>,
      %reduce_sum3A = arith.constant true
      %reduce_sum3A_593 = vector.broadcast %reduce_sum3A : i1 to vector<16xi1>
      %reduce_sum3A_594 = tpu.scan <sum>, %add3A_590 masked %reduce_sum3A_593 : vector<16xf32>, vector<16xi1> -> vector<16xf32>
      %reduce_sum3A_595 = vector.extract %reduce_sum3A_594[15] : f32 from vector<16xf32>
      %broadcast_in_dim3A_596 = vector.broadcast %reduce_sum3A_595 : f32 to vector<16xf32>
      %reduce_sum3A_597 = arith.constant true
      %reduce_sum3A_598 = vector.broadcast %reduce_sum3A_597 : i1 to vector<16xi1>
      %reduce_sum3A_599 = tpu.scan <sum>, %add3A_592 masked %reduce_sum3A_598 : vector<16xf32>, vector<16xi1> -> vector<16xf32>
      %reduce_sum3A_600 = vector.extract %reduce_sum3A_599[15] : f32 from vector<16xf32>
      %broadcast_in_dim3A_601 = vector.broadcast %reduce_sum3A_600 : f32 to vector<16xf32>
      %get3A_602 = arith.index_cast %scan3A_125 : i32 to index
      %get3A_603 = tpu.vector_load %arg8[%get3A_602] {strides = array<i32>} : memref<48xi32, #tpu.memory_space<vmem>>, vector<16xi32>,
      %slice3A = vector.extract_strided_slice %get3A_603 {offsets = [0], sizes = [1], strides = [1]} : vector<16xi32> to vector<1xi32>
      %squeeze3A = vector.extract %slice3A[0] : i32 from vector<1xi32>
      %convert_element_type3A = arith.sitofp %squeeze3A : i32 to f32
      %broadcast_in_dim3A_604 = vector.broadcast %convert_element_type3A : f32 to vector<16xf32>
      %add3A_605 = arith.constant 9.99999971E-10 : f32
      %add3A_606 = vector.broadcast %add3A_605 : f32 to vector<16xf32>
      %add3A_607 = arith.addf %broadcast_in_dim3A_604, %add3A_606 : vector<16xf32>
      %div3A = arith.divf %broadcast_in_dim3A_596, %add3A_607 : vector<16xf32>
      %mul3A_608 = arith.mulf %broadcast_in_dim3A_596, %broadcast_in_dim3A_596 : vector<16xf32>
      %add3A_609 = arith.constant 9.99999971E-10 : f32
      %add3A_610 = vector.broadcast %add3A_609 : f32 to vector<16xf32>
      %add3A_611 = arith.addf %broadcast_in_dim3A_604, %add3A_610 : vector<16xf32>
      %div3A_612 = arith.divf %mul3A_608, %add3A_611 : vector<16xf32>
      %sub3A_613 = arith.subf %broadcast_in_dim3A_601, %div3A_612 : vector<16xf32>
      %max3A_614 = arith.constant 0.000000e+00 : f32
      %max3A_615 = vector.broadcast %max3A_614 : f32 to vector<16xf32>
      %max3A_616 = arith.maximumf %sub3A_613, %max3A_615 : vector<16xf32>
      %sub3A_617 = arith.constant 1.000000e+00 : f32
      %sub3A_618 = vector.broadcast %sub3A_617 : f32 to vector<16xf32>
      %sub3A_619 = arith.subf %broadcast_in_dim3A_604, %sub3A_618 : vector<16xf32>
      %max3A_620 = arith.constant 0.000000e+00 : f32
      %max3A_621 = vector.broadcast %max3A_620 : f32 to vector<16xf32>
      %max3A_622 = arith.maximumf %sub3A_619, %max3A_621 : vector<16xf32>
      %add3A_623 = arith.constant 9.99999971E-10 : f32
      %add3A_624 = vector.broadcast %add3A_623 : f32 to vector<16xf32>
      %add3A_625 = arith.addf %max3A_622, %add3A_624 : vector<16xf32>
      %div3A_626 = arith.divf %max3A_616, %add3A_625 : vector<16xf32>
      %broadcast_in_dim3A_627 = vector.broadcast %scan3A_125 : i32 to vector<16xi32>
      %get3A_628 = arith.constant 0 : index
      %get3A_629 = tpu.vector_load %arg10[%get3A_628] {strides = array<i32>} : memref<128xf32, #tpu.memory_space<vmem>>, vector<16xf32>,
      %get3A_630 = arith.constant 0 : index
      %get3A_631 = tpu.vector_load %arg11[%get3A_630] {strides = array<i32>} : memref<128xf32, #tpu.memory_space<vmem>>, vector<16xf32>,
      %eq3A = arith.constant 0 : i32
      %eq3A_632 = vector.broadcast %eq3A : i32 to vector<16xi32>
      %eq3A_633 = arith.cmpi eq, %iota3A, %eq3A_632 : vector<16xi32>
      %jit3A_634 = arith.constant 0.000000e+00 : f32
      %broadcast_in_dim3A_635 = vector.broadcast %jit3A_634 : f32 to vector<16xf32>
      %select_n3A_636 = arith.select %eq3A_633, %broadcast_in_dim3A_635, %get3A_629 : vector<16xi1>, vector<16xf32>
      %add3A_637 = arith.constant 9.99999971E-10 : f32
      %add3A_638 = vector.broadcast %add3A_637 : f32 to vector<16xf32>
      %add3A_639 = arith.addf %select_n3A_636, %add3A_638 : vector<16xf32>
      %div3A_640 = arith.divf %get3A_631, %add3A_639 : vector<16xf32>
      %gt3A = arith.constant 0.000000e+00 : f32
      %gt3A_641 = vector.broadcast %gt3A : f32 to vector<16xf32>
      %gt3A_642 = arith.cmpf ogt, %select_n3A_636, %gt3A_641 : vector<16xf32>
      %jit3A_643 = arith.constant 1.000000e+00 : f32
      %jit3A_644 = arith.constant 0.000000e+00 : f32
      %broadcast_in_dim3A_645 = vector.broadcast %jit3A_643 : f32 to vector<16xf32>
      %broadcast_in_dim3A_646 = vector.broadcast %jit3A_644 : f32 to vector<16xf32>
      %select_n3A_647 = arith.select %gt3A_642, %broadcast_in_dim3A_645, %broadcast_in_dim3A_646 : vector<16xi1>, vector<16xf32>
      %add3A_648 = arith.addf %broadcast_in_dim3A_46, %select_n3A_647 : vector<16xf32>
      %add3A_649 = arith.constant 4 : i32
      %add3A_650 = vector.broadcast %add3A_649 : i32 to vector<16xi32>
      %add3A_651 = arith.addi %add3A_650, %iota3A : vector<16xi32>
      tpu.vector_store_idx %arg9[%broadcast_in_dim3A_627, %add3A_651], %select_n3A_636 : memref<32x205xf32, #tpu.memory_space<vmem>>[vector<16xi32>, vector<16xi32>], vector<16xf32>,
      %add3A_652 = arith.constant 104 : i32
      %add3A_653 = vector.broadcast %add3A_652 : i32 to vector<16xi32>
      %add3A_654 = arith.addi %add3A_653, %iota3A : vector<16xi32>
      tpu.vector_store_idx %arg9[%broadcast_in_dim3A_627, %add3A_654], %div3A_640 : memref<32x205xf32, #tpu.memory_space<vmem>>[vector<16xi32>, vector<16xi32>], vector<16xf32>,
      %get3A_655 = arith.constant 16 : index
      %get3A_656 = tpu.vector_load %arg10[%get3A_655] {strides = array<i32>} : memref<128xf32, #tpu.memory_space<vmem>>, vector<16xf32>,
      %get3A_657 = arith.constant 16 : index
      %get3A_658 = tpu.vector_load %arg11[%get3A_657] {strides = array<i32>} : memref<128xf32, #tpu.memory_space<vmem>>, vector<16xf32>,
      %add3A_659 = arith.constant 9.99999971E-10 : f32
      %add3A_660 = vector.broadcast %add3A_659 : f32 to vector<16xf32>
      %add3A_661 = arith.addf %get3A_656, %add3A_660 : vector<16xf32>
      %div3A_662 = arith.divf %get3A_658, %add3A_661 : vector<16xf32>
      %gt3A_663 = arith.constant 0.000000e+00 : f32
      %gt3A_664 = vector.broadcast %gt3A_663 : f32 to vector<16xf32>
      %gt3A_665 = arith.cmpf ogt, %get3A_656, %gt3A_664 : vector<16xf32>
      %jit3A_666 = arith.constant 1.000000e+00 : f32
      %jit3A_667 = arith.constant 0.000000e+00 : f32
      %broadcast_in_dim3A_668 = vector.broadcast %jit3A_666 : f32 to vector<16xf32>
      %broadcast_in_dim3A_669 = vector.broadcast %jit3A_667 : f32 to vector<16xf32>
      %select_n3A_670 = arith.select %gt3A_665, %broadcast_in_dim3A_668, %broadcast_in_dim3A_669 : vector<16xi1>, vector<16xf32>
      %add3A_671 = arith.addf %add3A_648, %select_n3A_670 : vector<16xf32>
      %add3A_672 = arith.constant 20 : i32
      %add3A_673 = vector.broadcast %add3A_672 : i32 to vector<16xi32>
      %add3A_674 = arith.addi %add3A_673, %iota3A : vector<16xi32>
      tpu.vector_store_idx %arg9[%broadcast_in_dim3A_627, %add3A_674], %get3A_656 : memref<32x205xf32, #tpu.memory_space<vmem>>[vector<16xi32>, vector<16xi32>], vector<16xf32>,
      %add3A_675 = arith.constant 120 : i32
      %add3A_676 = vector.broadcast %add3A_675 : i32 to vector<16xi32>
      %add3A_677 = arith.addi %add3A_676, %iota3A : vector<16xi32>
      tpu.vector_store_idx %arg9[%broadcast_in_dim3A_627, %add3A_677], %div3A_662 : memref<32x205xf32, #tpu.memory_space<vmem>>[vector<16xi32>, vector<16xi32>], vector<16xf32>,
      %get3A_678 = arith.constant 32 : index
      %get3A_679 = tpu.vector_load %arg10[%get3A_678] {strides = array<i32>} : memref<128xf32, #tpu.memory_space<vmem>>, vector<16xf32>,
      %get3A_680 = arith.constant 32 : index
      %get3A_681 = tpu.vector_load %arg11[%get3A_680] {strides = array<i32>} : memref<128xf32, #tpu.memory_space<vmem>>, vector<16xf32>,
      %add3A_682 = arith.constant 9.99999971E-10 : f32
      %add3A_683 = vector.broadcast %add3A_682 : f32 to vector<16xf32>
      %add3A_684 = arith.addf %get3A_679, %add3A_683 : vector<16xf32>
      %div3A_685 = arith.divf %get3A_681, %add3A_684 : vector<16xf32>
      %gt3A_686 = arith.constant 0.000000e+00 : f32
      %gt3A_687 = vector.broadcast %gt3A_686 : f32 to vector<16xf32>
      %gt3A_688 = arith.cmpf ogt, %get3A_679, %gt3A_687 : vector<16xf32>
      %jit3A_689 = arith.constant 1.000000e+00 : f32
      %jit3A_690 = arith.constant 0.000000e+00 : f32
      %broadcast_in_dim3A_691 = vector.broadcast %jit3A_689 : f32 to vector<16xf32>
      %broadcast_in_dim3A_692 = vector.broadcast %jit3A_690 : f32 to vector<16xf32>
      %select_n3A_693 = arith.select %gt3A_688, %broadcast_in_dim3A_691, %broadcast_in_dim3A_692 : vector<16xi1>, vector<16xf32>
      %add3A_694 = arith.addf %add3A_671, %select_n3A_693 : vector<16xf32>
      %add3A_695 = arith.constant 36 : i32
      %add3A_696 = vector.broadcast %add3A_695 : i32 to vector<16xi32>
      %add3A_697 = arith.addi %add3A_696, %iota3A : vector<16xi32>
      tpu.vector_store_idx %arg9[%broadcast_in_dim3A_627, %add3A_697], %get3A_679 : memref<32x205xf32, #tpu.memory_space<vmem>>[vector<16xi32>, vector<16xi32>], vector<16xf32>,
      %add3A_698 = arith.constant 136 : i32
      %add3A_699 = vector.broadcast %add3A_698 : i32 to vector<16xi32>
      %add3A_700 = arith.addi %add3A_699, %iota3A : vector<16xi32>
      tpu.vector_store_idx %arg9[%broadcast_in_dim3A_627, %add3A_700], %div3A_685 : memref<32x205xf32, #tpu.memory_space<vmem>>[vector<16xi32>, vector<16xi32>], vector<16xf32>,
      %get3A_701 = arith.constant 48 : index
      %get3A_702 = tpu.vector_load %arg10[%get3A_701] {strides = array<i32>} : memref<128xf32, #tpu.memory_space<vmem>>, vector<16xf32>,
      %get3A_703 = arith.constant 48 : index
      %get3A_704 = tpu.vector_load %arg11[%get3A_703] {strides = array<i32>} : memref<128xf32, #tpu.memory_space<vmem>>, vector<16xf32>,
      %add3A_705 = arith.constant 9.99999971E-10 : f32
      %add3A_706 = vector.broadcast %add3A_705 : f32 to vector<16xf32>
      %add3A_707 = arith.addf %get3A_702, %add3A_706 : vector<16xf32>
      %div3A_708 = arith.divf %get3A_704, %add3A_707 : vector<16xf32>
      %gt3A_709 = arith.constant 0.000000e+00 : f32
      %gt3A_710 = vector.broadcast %gt3A_709 : f32 to vector<16xf32>
      %gt3A_711 = arith.cmpf ogt, %get3A_702, %gt3A_710 : vector<16xf32>
      %jit3A_712 = arith.constant 1.000000e+00 : f32
      %jit3A_713 = arith.constant 0.000000e+00 : f32
      %broadcast_in_dim3A_714 = vector.broadcast %jit3A_712 : f32 to vector<16xf32>
      %broadcast_in_dim3A_715 = vector.broadcast %jit3A_713 : f32 to vector<16xf32>
      %select_n3A_716 = arith.select %gt3A_711, %broadcast_in_dim3A_714, %broadcast_in_dim3A_715 : vector<16xi1>, vector<16xf32>
      %add3A_717 = arith.addf %add3A_694, %select_n3A_716 : vector<16xf32>
      %add3A_718 = arith.constant 52 : i32
      %add3A_719 = vector.broadcast %add3A_718 : i32 to vector<16xi32>
      %add3A_720 = arith.addi %add3A_719, %iota3A : vector<16xi32>
      tpu.vector_store_idx %arg9[%broadcast_in_dim3A_627, %add3A_720], %get3A_702 : memref<32x205xf32, #tpu.memory_space<vmem>>[vector<16xi32>, vector<16xi32>], vector<16xf32>,
      %add3A_721 = arith.constant 152 : i32
      %add3A_722 = vector.broadcast %add3A_721 : i32 to vector<16xi32>
      %add3A_723 = arith.addi %add3A_722, %iota3A : vector<16xi32>
      tpu.vector_store_idx %arg9[%broadcast_in_dim3A_627, %add3A_723], %div3A_708 : memref<32x205xf32, #tpu.memory_space<vmem>>[vector<16xi32>, vector<16xi32>], vector<16xf32>,
      %get3A_724 = arith.constant 64 : index
      %get3A_725 = tpu.vector_load %arg10[%get3A_724] {strides = array<i32>} : memref<128xf32, #tpu.memory_space<vmem>>, vector<16xf32>,
      %get3A_726 = arith.constant 64 : index
      %get3A_727 = tpu.vector_load %arg11[%get3A_726] {strides = array<i32>} : memref<128xf32, #tpu.memory_space<vmem>>, vector<16xf32>,
      %add3A_728 = arith.constant 9.99999971E-10 : f32
      %add3A_729 = vector.broadcast %add3A_728 : f32 to vector<16xf32>
      %add3A_730 = arith.addf %get3A_725, %add3A_729 : vector<16xf32>
      %div3A_731 = arith.divf %get3A_727, %add3A_730 : vector<16xf32>
      %gt3A_732 = arith.constant 0.000000e+00 : f32
      %gt3A_733 = vector.broadcast %gt3A_732 : f32 to vector<16xf32>
      %gt3A_734 = arith.cmpf ogt, %get3A_725, %gt3A_733 : vector<16xf32>
      %jit3A_735 = arith.constant 1.000000e+00 : f32
      %jit3A_736 = arith.constant 0.000000e+00 : f32
      %broadcast_in_dim3A_737 = vector.broadcast %jit3A_735 : f32 to vector<16xf32>
      %broadcast_in_dim3A_738 = vector.broadcast %jit3A_736 : f32 to vector<16xf32>
      %select_n3A_739 = arith.select %gt3A_734, %broadcast_in_dim3A_737, %broadcast_in_dim3A_738 : vector<16xi1>, vector<16xf32>
      %add3A_740 = arith.addf %add3A_717, %select_n3A_739 : vector<16xf32>
      %add3A_741 = arith.constant 68 : i32
      %add3A_742 = vector.broadcast %add3A_741 : i32 to vector<16xi32>
      %add3A_743 = arith.addi %add3A_742, %iota3A : vector<16xi32>
      tpu.vector_store_idx %arg9[%broadcast_in_dim3A_627, %add3A_743], %get3A_725 : memref<32x205xf32, #tpu.memory_space<vmem>>[vector<16xi32>, vector<16xi32>], vector<16xf32>,
      %add3A_744 = arith.constant 168 : i32
      %add3A_745 = vector.broadcast %add3A_744 : i32 to vector<16xi32>
      %add3A_746 = arith.addi %add3A_745, %iota3A : vector<16xi32>
      tpu.vector_store_idx %arg9[%broadcast_in_dim3A_627, %add3A_746], %div3A_731 : memref<32x205xf32, #tpu.memory_space<vmem>>[vector<16xi32>, vector<16xi32>], vector<16xf32>,
      %get3A_747 = arith.constant 80 : index
      %get3A_748 = tpu.vector_load %arg10[%get3A_747] {strides = array<i32>} : memref<128xf32, #tpu.memory_space<vmem>>, vector<16xf32>,
      %get3A_749 = arith.constant 80 : index
      %get3A_750 = tpu.vector_load %arg11[%get3A_749] {strides = array<i32>} : memref<128xf32, #tpu.memory_space<vmem>>, vector<16xf32>,
      %add3A_751 = arith.constant 9.99999971E-10 : f32
      %add3A_752 = vector.broadcast %add3A_751 : f32 to vector<16xf32>
      %add3A_753 = arith.addf %get3A_748, %add3A_752 : vector<16xf32>
      %div3A_754 = arith.divf %get3A_750, %add3A_753 : vector<16xf32>
      %gt3A_755 = arith.constant 0.000000e+00 : f32
      %gt3A_756 = vector.broadcast %gt3A_755 : f32 to vector<16xf32>
      %gt3A_757 = arith.cmpf ogt, %get3A_748, %gt3A_756 : vector<16xf32>
      %jit3A_758 = arith.constant 1.000000e+00 : f32
      %jit3A_759 = arith.constant 0.000000e+00 : f32
      %broadcast_in_dim3A_760 = vector.broadcast %jit3A_758 : f32 to vector<16xf32>
      %broadcast_in_dim3A_761 = vector.broadcast %jit3A_759 : f32 to vector<16xf32>
      %select_n3A_762 = arith.select %gt3A_757, %broadcast_in_dim3A_760, %broadcast_in_dim3A_761 : vector<16xi1>, vector<16xf32>
      %add3A_763 = arith.addf %add3A_740, %select_n3A_762 : vector<16xf32>
      %add3A_764 = arith.constant 84 : i32
      %add3A_765 = vector.broadcast %add3A_764 : i32 to vector<16xi32>
      %add3A_766 = arith.addi %add3A_765, %iota3A : vector<16xi32>
      tpu.vector_store_idx %arg9[%broadcast_in_dim3A_627, %add3A_766], %get3A_748 : memref<32x205xf32, #tpu.memory_space<vmem>>[vector<16xi32>, vector<16xi32>], vector<16xf32>,
      %add3A_767 = arith.constant 184 : i32
      %add3A_768 = vector.broadcast %add3A_767 : i32 to vector<16xi32>
      %add3A_769 = arith.addi %add3A_768, %iota3A : vector<16xi32>
      tpu.vector_store_idx %arg9[%broadcast_in_dim3A_627, %add3A_769], %div3A_754 : memref<32x205xf32, #tpu.memory_space<vmem>>[vector<16xi32>, vector<16xi32>], vector<16xf32>,
      %get3A_770 = arith.constant 96 : index
      %get3A_771 = tpu.vector_load %arg10[%get3A_770] {strides = array<i32>} : memref<128xf32, #tpu.memory_space<vmem>>, vector<16xf32>,
      %get3A_772 = arith.constant 96 : index
      %get3A_773 = tpu.vector_load %arg11[%get3A_772] {strides = array<i32>} : memref<128xf32, #tpu.memory_space<vmem>>, vector<16xf32>,
      %add3A_774 = arith.constant 9.99999971E-10 : f32
      %add3A_775 = vector.broadcast %add3A_774 : f32 to vector<16xf32>
      %add3A_776 = arith.addf %get3A_771, %add3A_775 : vector<16xf32>
      %div3A_777 = arith.divf %get3A_773, %add3A_776 : vector<16xf32>
      %gt3A_778 = arith.constant 0.000000e+00 : f32
      %gt3A_779 = vector.broadcast %gt3A_778 : f32 to vector<16xf32>
      %gt3A_780 = arith.cmpf ogt, %get3A_771, %gt3A_779 : vector<16xf32>
      %jit3A_781 = arith.constant 1.000000e+00 : f32
      %jit3A_782 = arith.constant 0.000000e+00 : f32
      %broadcast_in_dim3A_783 = vector.broadcast %jit3A_781 : f32 to vector<16xf32>
      %broadcast_in_dim3A_784 = vector.broadcast %jit3A_782 : f32 to vector<16xf32>
      %select_n3A_785 = arith.select %gt3A_780, %broadcast_in_dim3A_783, %broadcast_in_dim3A_784 : vector<16xi1>, vector<16xf32>
      %add3A_786 = arith.addf %add3A_763, %select_n3A_785 : vector<16xf32>
      %add3A_787 = arith.constant 100 : i32
      %add3A_788 = vector.broadcast %add3A_787 : i32 to vector<16xi32>
      %add3A_789 = arith.addi %add3A_788, %iota3A : vector<16xi32>
      %lt3A = arith.constant 4 : i32
      %lt3A_790 = vector.broadcast %lt3A : i32 to vector<16xi32>
      %lt3A_791 = arith.cmpi slt, %iota3A, %lt3A_790 : vector<16xi32>
      tpu.vector_store_idx %arg9[%broadcast_in_dim3A_627, %add3A_789], %get3A_771 masked %lt3A_791 : memref<32x205xf32, #tpu.memory_space<vmem>>[vector<16xi32>, vector<16xi32>], vector<16xf32>, vector<16xi1>
      %eq3A_792 = arith.constant 4 : i32
      %eq3A_793 = vector.broadcast %eq3A_792 : i32 to vector<16xi32>
      %eq3A_794 = arith.cmpi eq, %iota3A, %eq3A_793 : vector<16xi32>
      %reduce_sum3A_795 = arith.constant true
      %reduce_sum3A_796 = vector.broadcast %reduce_sum3A_795 : i1 to vector<16xi1>
      %reduce_sum3A_797 = tpu.scan <sum>, %add3A_786 masked %reduce_sum3A_796 : vector<16xf32>, vector<16xi1> -> vector<16xf32>
      %reduce_sum3A_798 = vector.extract %reduce_sum3A_797[15] : f32 from vector<16xf32>
      %broadcast_in_dim3A_799 = vector.broadcast %reduce_sum3A_798 : f32 to vector<16xf32>
      %select_n3A_800 = arith.select %eq3A_794, %broadcast_in_dim3A_799, %div3A_777 : vector<16xi1>, vector<16xf32>
      %add3A_801 = arith.constant 200 : i32
      %add3A_802 = vector.broadcast %add3A_801 : i32 to vector<16xi32>
      %add3A_803 = arith.addi %add3A_802, %iota3A : vector<16xi32>
      %lt3A_804 = arith.constant 5 : i32
      %lt3A_805 = vector.broadcast %lt3A_804 : i32 to vector<16xi32>
      %lt3A_806 = arith.cmpi slt, %iota3A, %lt3A_805 : vector<16xi32>
      tpu.vector_store_idx %arg9[%broadcast_in_dim3A_627, %add3A_803], %select_n3A_800 masked %lt3A_806 : memref<32x205xf32, #tpu.memory_space<vmem>>[vector<16xi32>, vector<16xi32>], vector<16xf32>, vector<16xi1>
      %eq3A_807 = arith.constant 3 : i32
      %eq3A_808 = vector.broadcast %eq3A_807 : i32 to vector<16xi32>
      %eq3A_809 = arith.cmpi eq, %iota3A, %eq3A_808 : vector<16xi32>
      %jit3A_810 = arith.constant 1.000000e+00 : f32
      %broadcast_in_dim3A_811 = vector.broadcast %jit3A_810 : f32 to vector<16xf32>
      %select_n3A_812 = arith.select %eq3A_809, %div3A_626, %broadcast_in_dim3A_811 : vector<16xi1>, vector<16xf32>
      %bitcast_convert_type3A = tpu.bitcast %select_n3A_812 : vector<16xf32> -> vector<16xi32>
      %shift_right_arithmetic3A = arith.constant 1 : i32
      %shift_right_arithmetic3A_813 = vector.broadcast %shift_right_arithmetic3A : i32 to vector<16xi32>
      %shift_right_arithmetic3A_814 = arith.shrsi %bitcast_convert_type3A, %shift_right_arithmetic3A_813 : vector<16xi32>
      %add3A_815 = arith.constant 532487669 : i32
      %add3A_816 = vector.broadcast %add3A_815 : i32 to vector<16xi32>
      %add3A_817 = arith.addi %shift_right_arithmetic3A_814, %add3A_816 : vector<16xi32>
      %bitcast_convert_type3A_818 = tpu.bitcast %add3A_817 : vector<16xi32> -> vector<16xf32>
      %div3A_819 = arith.divf %select_n3A_812, %bitcast_convert_type3A_818 : vector<16xf32>
      %add3A_820 = arith.addf %bitcast_convert_type3A_818, %div3A_819 : vector<16xf32>
      %mul3A_821 = arith.constant 5.000000e-01 : f32
      %mul3A_822 = vector.broadcast %mul3A_821 : f32 to vector<16xf32>
      %mul3A_823 = arith.mulf %mul3A_822, %add3A_820 : vector<16xf32>
      %div3A_824 = arith.divf %select_n3A_812, %mul3A_823 : vector<16xf32>
      %add3A_825 = arith.addf %mul3A_823, %div3A_824 : vector<16xf32>
      %mul3A_826 = arith.constant 5.000000e-01 : f32
      %mul3A_827 = vector.broadcast %mul3A_826 : f32 to vector<16xf32>
      %mul3A_828 = arith.mulf %mul3A_827, %add3A_825 : vector<16xf32>
      %div3A_829 = arith.divf %select_n3A_812, %mul3A_828 : vector<16xf32>
      %add3A_830 = arith.addf %mul3A_828, %div3A_829 : vector<16xf32>
      %mul3A_831 = arith.constant 5.000000e-01 : f32
      %mul3A_832 = vector.broadcast %mul3A_831 : f32 to vector<16xf32>
      %mul3A_833 = arith.mulf %mul3A_832, %add3A_830 : vector<16xf32>
      %eq3A_834 = arith.constant 0 : i32
      %eq3A_835 = vector.broadcast %eq3A_834 : i32 to vector<16xi32>
      %eq3A_836 = arith.cmpi eq, %iota3A, %eq3A_835 : vector<16xi32>
      %eq3A_837 = arith.constant 1 : i32
      %eq3A_838 = vector.broadcast %eq3A_837 : i32 to vector<16xi32>
      %eq3A_839 = arith.cmpi eq, %iota3A, %eq3A_838 : vector<16xi32>
      %eq3A_840 = arith.constant 2 : i32
      %eq3A_841 = vector.broadcast %eq3A_840 : i32 to vector<16xi32>
      %eq3A_842 = arith.cmpi eq, %iota3A, %eq3A_841 : vector<16xi32>
      %eq3A_843 = arith.constant 3 : i32
      %eq3A_844 = vector.broadcast %eq3A_843 : i32 to vector<16xi32>
      %eq3A_845 = arith.cmpi eq, %iota3A, %eq3A_844 : vector<16xi32>
      %jit3A_846 = arith.constant 0.000000e+00 : f32
      %broadcast_in_dim3A_847 = vector.broadcast %jit3A_846 : f32 to vector<16xf32>
      %select_n3A_848 = arith.select %eq3A_845, %mul3A_833, %broadcast_in_dim3A_847 : vector<16xi1>, vector<16xf32>
      %select_n3A_849 = arith.select %eq3A_842, %div3A, %select_n3A_848 : vector<16xi1>, vector<16xf32>
      %select_n3A_850 = arith.select %eq3A_839, %broadcast_in_dim3A_596, %select_n3A_849 : vector<16xi1>, vector<16xf32>
      %select_n3A_851 = arith.select %eq3A_836, %broadcast_in_dim3A_604, %select_n3A_850 : vector<16xi1>, vector<16xf32>
      %lt3A_852 = arith.constant 4 : i32
      %lt3A_853 = vector.broadcast %lt3A_852 : i32 to vector<16xi32>
      %lt3A_854 = arith.cmpi slt, %iota3A, %lt3A_853 : vector<16xi32>
      tpu.vector_store_idx %arg9[%broadcast_in_dim3A_627, %iota3A], %select_n3A_851 masked %lt3A_854 : memref<32x205xf32, #tpu.memory_space<vmem>>[vector<16xi32>, vector<16xi32>], vector<16xf32>, vector<16xi1>
      %scan3A_855 = arith.constant 0 : i32
      scf.yield %scan3A_855 : i32
    }
    %scan3A_75 = arith.constant 16 : i32
    %dma_start3A_76 = arith.constant 0 : i32
    %dma_start3A_77 = arith.constant 0 : i32
    %dma_start3A_78 = tpu.memref_slice %arg9[%dma_start3A_76, %dma_start3A_77] : memref<32x205xf32, #tpu.memory_space<vmem>> -> memref<16x205xf32, #tpu.memory_space<vmem>>
    %dma_start3A_79 = arith.constant 0 : i32
    %dma_start3A_80 = tpu.memref_slice %arg5[%mul3A_2, %dma_start3A_79] : memref<1024x205xf32, #tpu.memory_space<hbm>> -> memref<16x205xf32, #tpu.memory_space<hbm>>
    %dma_start3A_81 = arith.constant 0 : i32
    %dma_start3A_82 = tpu.memref_slice %arg5[%mul3A_2, %dma_start3A_81] : memref<1024x205xf32, #tpu.memory_space<hbm>> -> memref<16x205xf32, #tpu.memory_space<hbm>>
    %dma_start3A_83 = arith.constant 0 : i32
    %dma_start3A_84 = arith.constant 0 : i32
    %dma_start3A_85 = tpu.memref_slice %arg9[%dma_start3A_83, %dma_start3A_84] : memref<32x205xf32, #tpu.memory_space<vmem>> -> memref<16x205xf32, #tpu.memory_space<vmem>>
    tpu.enqueue_dma source(%dma_start3A_85 : memref<16x205xf32, #tpu.memory_space<vmem>>) target(%dma_start3A_82 : memref<16x205xf32, #tpu.memory_space<hbm>>) target_semaphore(%arg14 : memref<!tpu.dma_semaphore, #tpu.memory_space<semaphore_mem>>)
    %dma_wait3A_86 = arith.constant 16 : i32
    %dma_wait3A_87 = arith.constant 0 : i32
    %dma_wait3A_88 = tpu.memref_slice %arg6[%dma_wait3A_86, %dma_wait3A_87] : memref<32x200xf32, #tpu.memory_space<vmem>> -> memref<16x200xf32, #tpu.memory_space<vmem>>
    %dma_wait3A_89 = arith.constant 0 : i32
    %dma_wait3A_90 = tpu.memref_slice %arg2[%add3A_23, %dma_wait3A_89] : memref<1024x200xf32, #tpu.memory_space<hbm>> -> memref<16x200xf32, #tpu.memory_space<hbm>>
    %dma_wait3A_91 = arith.constant 16 : i32
    %dma_wait3A_92 = arith.constant 0 : i32
    %dma_wait3A_93 = tpu.memref_slice %arg6[%dma_wait3A_91, %dma_wait3A_92] : memref<32x200xf32, #tpu.memory_space<vmem>> -> memref<16x200xf32, #tpu.memory_space<vmem>>
    %dma_wait3A_94 = arith.constant 0 : i32
    %dma_wait3A_95 = tpu.memref_slice %arg2[%add3A_23, %dma_wait3A_94] : memref<1024x200xf32, #tpu.memory_space<hbm>> -> memref<16x200xf32, #tpu.memory_space<hbm>>
    tpu.wait_dma2 semaphore(%arg13 : memref<!tpu.dma_semaphore, #tpu.memory_space<semaphore_mem>>) src(%dma_wait3A_95 : memref<16x200xf32, #tpu.memory_space<hbm>>) dst(%dma_wait3A_93 : memref<16x200xf32, #tpu.memory_space<vmem>>)
    %dma_wait3A_96 = arith.constant 16 : i32
    %dma_wait3A_97 = arith.constant 0 : i32
    %dma_wait3A_98 = tpu.memref_slice %arg7[%dma_wait3A_96, %dma_wait3A_97] : memref<32x200xi32, #tpu.memory_space<vmem>> -> memref<16x200xi32, #tpu.memory_space<vmem>>
    %dma_wait3A_99 = arith.constant 0 : i32
    %dma_wait3A_100 = tpu.memref_slice %arg3[%add3A_35, %dma_wait3A_99] : memref<1024x200xi32, #tpu.memory_space<hbm>> -> memref<16x200xi32, #tpu.memory_space<hbm>>
    %dma_wait3A_101 = arith.constant 16 : i32
    %dma_wait3A_102 = arith.constant 0 : i32
    %dma_wait3A_103 = tpu.memref_slice %arg7[%dma_wait3A_101, %dma_wait3A_102] : memref<32x200xi32, #tpu.memory_space<vmem>> -> memref<16x200xi32, #tpu.memory_space<vmem>>
    %dma_wait3A_104 = arith.constant 0 : i32
    %dma_wait3A_105 = tpu.memref_slice %arg3[%add3A_35, %dma_wait3A_104] : memref<1024x200xi32, #tpu.memory_space<hbm>> -> memref<16x200xi32, #tpu.memory_space<hbm>>
    tpu.wait_dma2 semaphore(%arg13 : memref<!tpu.dma_semaphore, #tpu.memory_space<semaphore_mem>>) src(%dma_wait3A_105 : memref<16x200xi32, #tpu.memory_space<hbm>>) dst(%dma_wait3A_103 : memref<16x200xi32, #tpu.memory_space<vmem>>)
    %scan3A_106 = arith.constant 0 : i32
    %scan3A_107 = arith.constant 16 : i32
    %scan3A_108 = arith.constant 16 : i32
    %scan3A_109 = arith.addi %scan3A_107, %scan3A_108 : i32
    %scan3A_110 = arith.constant 1 : i32
    %scan3A_111 = scf.for %scan3A_125 = %scan3A_107 to %scan3A_109 step %scan3A_110 iter_args(%scan3A_126 = %scan3A_106) -> (i32)  : i32 {
      %swap3A = arith.constant 0 : index
      %swap3A_127 = tpu.vector_load %arg10[%swap3A] {strides = array<i32>} : memref<128xf32, #tpu.memory_space<vmem>>, vector<16xf32>,
      tpu.vector_store %arg10[%swap3A], %broadcast_in_dim3A_46 {strides = array<i32>} : memref<128xf32, #tpu.memory_space<vmem>>, vector<16xf32>,
      %swap3A_128 = arith.constant 0 : index
      %swap3A_129 = tpu.vector_load %arg11[%swap3A_128] {strides = array<i32>} : memref<128xf32, #tpu.memory_space<vmem>>, vector<16xf32>,
      tpu.vector_store %arg11[%swap3A_128], %broadcast_in_dim3A_46 {strides = array<i32>} : memref<128xf32, #tpu.memory_space<vmem>>, vector<16xf32>,
      %swap3A_130 = arith.constant 16 : index
      %swap3A_131 = tpu.vector_load %arg10[%swap3A_130] {strides = array<i32>} : memref<128xf32, #tpu.memory_space<vmem>>, vector<16xf32>,
      tpu.vector_store %arg10[%swap3A_130], %broadcast_in_dim3A_46 {strides = array<i32>} : memref<128xf32, #tpu.memory_space<vmem>>, vector<16xf32>,
      %swap3A_132 = arith.constant 16 : index
      %swap3A_133 = tpu.vector_load %arg11[%swap3A_132] {strides = array<i32>} : memref<128xf32, #tpu.memory_space<vmem>>, vector<16xf32>,
      tpu.vector_store %arg11[%swap3A_132], %broadcast_in_dim3A_46 {strides = array<i32>} : memref<128xf32, #tpu.memory_space<vmem>>, vector<16xf32>,
      %swap3A_134 = arith.constant 32 : index
      %swap3A_135 = tpu.vector_load %arg10[%swap3A_134] {strides = array<i32>} : memref<128xf32, #tpu.memory_space<vmem>>, vector<16xf32>,
      tpu.vector_store %arg10[%swap3A_134], %broadcast_in_dim3A_46 {strides = array<i32>} : memref<128xf32, #tpu.memory_space<vmem>>, vector<16xf32>,
      %swap3A_136 = arith.constant 32 : index
      %swap3A_137 = tpu.vector_load %arg11[%swap3A_136] {strides = array<i32>} : memref<128xf32, #tpu.memory_space<vmem>>, vector<16xf32>,
      tpu.vector_store %arg11[%swap3A_136], %broadcast_in_dim3A_46 {strides = array<i32>} : memref<128xf32, #tpu.memory_space<vmem>>, vector<16xf32>,
      %swap3A_138 = arith.constant 48 : index
      %swap3A_139 = tpu.vector_load %arg10[%swap3A_138] {strides = array<i32>} : memref<128xf32, #tpu.memory_space<vmem>>, vector<16xf32>,
      tpu.vector_store %arg10[%swap3A_138], %broadcast_in_dim3A_46 {strides = array<i32>} : memref<128xf32, #tpu.memory_space<vmem>>, vector<16xf32>,
      %swap3A_140 = arith.constant 48 : index
      %swap3A_141 = tpu.vector_load %arg11[%swap3A_140] {strides = array<i32>} : memref<128xf32, #tpu.memory_space<vmem>>, vector<16xf32>,
      tpu.vector_store %arg11[%swap3A_140], %broadcast_in_dim3A_46 {strides = array<i32>} : memref<128xf32, #tpu.memory_space<vmem>>, vector<16xf32>,
      %swap3A_142 = arith.constant 64 : index
      %swap3A_143 = tpu.vector_load %arg10[%swap3A_142] {strides = array<i32>} : memref<128xf32, #tpu.memory_space<vmem>>, vector<16xf32>,
      tpu.vector_store %arg10[%swap3A_142], %broadcast_in_dim3A_46 {strides = array<i32>} : memref<128xf32, #tpu.memory_space<vmem>>, vector<16xf32>,
      %swap3A_144 = arith.constant 64 : index
      %swap3A_145 = tpu.vector_load %arg11[%swap3A_144] {strides = array<i32>} : memref<128xf32, #tpu.memory_space<vmem>>, vector<16xf32>,
      tpu.vector_store %arg11[%swap3A_144], %broadcast_in_dim3A_46 {strides = array<i32>} : memref<128xf32, #tpu.memory_space<vmem>>, vector<16xf32>,
      %swap3A_146 = arith.constant 80 : index
      %swap3A_147 = tpu.vector_load %arg10[%swap3A_146] {strides = array<i32>} : memref<128xf32, #tpu.memory_space<vmem>>, vector<16xf32>,
      tpu.vector_store %arg10[%swap3A_146], %broadcast_in_dim3A_46 {strides = array<i32>} : memref<128xf32, #tpu.memory_space<vmem>>, vector<16xf32>,
      %swap3A_148 = arith.constant 80 : index
      %swap3A_149 = tpu.vector_load %arg11[%swap3A_148] {strides = array<i32>} : memref<128xf32, #tpu.memory_space<vmem>>, vector<16xf32>,
      tpu.vector_store %arg11[%swap3A_148], %broadcast_in_dim3A_46 {strides = array<i32>} : memref<128xf32, #tpu.memory_space<vmem>>, vector<16xf32>,
      %swap3A_150 = arith.constant 96 : index
      %swap3A_151 = tpu.vector_load %arg10[%swap3A_150] {strides = array<i32>} : memref<128xf32, #tpu.memory_space<vmem>>, vector<16xf32>,
      tpu.vector_store %arg10[%swap3A_150], %broadcast_in_dim3A_46 {strides = array<i32>} : memref<128xf32, #tpu.memory_space<vmem>>, vector<16xf32>,
      %swap3A_152 = arith.constant 96 : index
      %swap3A_153 = tpu.vector_load %arg11[%swap3A_152] {strides = array<i32>} : memref<128xf32, #tpu.memory_space<vmem>>, vector<16xf32>,
      tpu.vector_store %arg11[%swap3A_152], %broadcast_in_dim3A_46 {strides = array<i32>} : memref<128xf32, #tpu.memory_space<vmem>>, vector<16xf32>,
      %get3A = arith.index_cast %scan3A_125 : i32 to index
      %get3A_154 = arith.constant 0 : index
      %get3A_155 = tpu.vector_load %arg6[%get3A, %get3A_154] {strides = array<i32>} : memref<32x200xf32, #tpu.memory_space<vmem>>, vector<16xf32>,
      %sign3A = tpu.bitcast %get3A_155 : vector<16xf32> -> vector<16xi32>
      %sign3A_156 = arith.constant -2147483648 : i32
      %sign3A_157 = vector.broadcast %sign3A_156 : i32 to vector<16xi32>
      %sign3A_158 = arith.andi %sign3A, %sign3A_157 : vector<16xi32>
      %sign3A_159 = arith.constant 1065353216 : i32
      %sign3A_160 = vector.broadcast %sign3A_159 : i32 to vector<16xi32>
      %sign3A_161 = arith.ori %sign3A_160, %sign3A_158 : vector<16xi32>
      %sign3A_162 = tpu.bitcast %sign3A_161 : vector<16xi32> -> vector<16xf32>
      %sign3A_163 = math.absf %get3A_155 : vector<16xf32>
      %sign3A_164 = arith.constant 0.000000e+00 : f32
      %sign3A_165 = vector.broadcast %sign3A_164 : f32 to vector<16xf32>
      %sign3A_166 = arith.cmpf ogt, %sign3A_163, %sign3A_165 : vector<16xf32>
      %sign3A_167 = arith.select %sign3A_166, %sign3A_162, %get3A_155 : vector<16xi1>, vector<16xf32>
      %abs3A = math.absf %get3A_155 : vector<16xf32>
      %exp3A = math.exp %abs3A : vector<16xf32>
      %sub3A = arith.constant 1.000000e+00 : f32
      %sub3A_168 = vector.broadcast %sub3A : f32 to vector<16xf32>
      %sub3A_169 = arith.subf %exp3A, %sub3A_168 : vector<16xf32>
      %mul3A_170 = arith.mulf %sign3A_167, %sub3A_169 : vector<16xf32>
      %get3A_171 = arith.index_cast %scan3A_125 : i32 to index
      %get3A_172 = arith.constant 0 : index
      %get3A_173 = tpu.vector_load %arg7[%get3A_171, %get3A_172] {strides = array<i32>} : memref<32x200xi32, #tpu.memory_space<vmem>>, vector<16xi32>,
      %jit3A = arith.constant 0 : i32
      %jit3A_174 = arith.constant 99 : i32
      %max3A = vector.broadcast %jit3A : i32 to vector<16xi32>
      %max3A_175 = arith.maxsi %max3A, %get3A_173 : vector<16xi32>
      %min3A = vector.broadcast %jit3A_174 : i32 to vector<16xi32>
      %min3A_176 = arith.minsi %min3A, %max3A_175 : vector<16xi32>
      %add3A_177 = arith.addf %broadcast_in_dim3A_46, %mul3A_170 : vector<16xf32>
      %mul3A_178 = arith.mulf %mul3A_170, %mul3A_170 : vector<16xf32>
      %add3A_179 = arith.addf %broadcast_in_dim3A_46, %mul3A_178 : vector<16xf32>
      %get3A_180 = arith.index_cast %scan3A_125 : i32 to index
      %get3A_181 = arith.constant 16 : index
      %get3A_182 = tpu.vector_load %arg6[%get3A_180, %get3A_181] {strides = array<i32>} : memref<32x200xf32, #tpu.memory_space<vmem>>, vector<16xf32>,
      %sign3A_183 = tpu.bitcast %get3A_182 : vector<16xf32> -> vector<16xi32>
      %sign3A_184 = arith.constant -2147483648 : i32
      %sign3A_185 = vector.broadcast %sign3A_184 : i32 to vector<16xi32>
      %sign3A_186 = arith.andi %sign3A_183, %sign3A_185 : vector<16xi32>
      %sign3A_187 = arith.constant 1065353216 : i32
      %sign3A_188 = vector.broadcast %sign3A_187 : i32 to vector<16xi32>
      %sign3A_189 = arith.ori %sign3A_188, %sign3A_186 : vector<16xi32>
      %sign3A_190 = tpu.bitcast %sign3A_189 : vector<16xi32> -> vector<16xf32>
      %sign3A_191 = math.absf %get3A_182 : vector<16xf32>
      %sign3A_192 = arith.constant 0.000000e+00 : f32
      %sign3A_193 = vector.broadcast %sign3A_192 : f32 to vector<16xf32>
      %sign3A_194 = arith.cmpf ogt, %sign3A_191, %sign3A_193 : vector<16xf32>
      %sign3A_195 = arith.select %sign3A_194, %sign3A_190, %get3A_182 : vector<16xi1>, vector<16xf32>
      %abs3A_196 = math.absf %get3A_182 : vector<16xf32>
      %exp3A_197 = math.exp %abs3A_196 : vector<16xf32>
      %sub3A_198 = arith.constant 1.000000e+00 : f32
      %sub3A_199 = vector.broadcast %sub3A_198 : f32 to vector<16xf32>
      %sub3A_200 = arith.subf %exp3A_197, %sub3A_199 : vector<16xf32>
      %mul3A_201 = arith.mulf %sign3A_195, %sub3A_200 : vector<16xf32>
      %get3A_202 = arith.index_cast %scan3A_125 : i32 to index
      %get3A_203 = arith.constant 16 : index
      %get3A_204 = tpu.vector_load %arg7[%get3A_202, %get3A_203] {strides = array<i32>} : memref<32x200xi32, #tpu.memory_space<vmem>>, vector<16xi32>,
      %jit3A_205 = arith.constant 0 : i32
      %jit3A_206 = arith.constant 99 : i32
      %max3A_207 = vector.broadcast %jit3A_205 : i32 to vector<16xi32>
      %max3A_208 = arith.maxsi %max3A_207, %get3A_204 : vector<16xi32>
      %min3A_209 = vector.broadcast %jit3A_206 : i32 to vector<16xi32>
      %min3A_210 = arith.minsi %min3A_209, %max3A_208 : vector<16xi32>
      %add3A_211 = arith.addf %add3A_177, %mul3A_201 : vector<16xf32>
      %mul3A_212 = arith.mulf %mul3A_201, %mul3A_201 : vector<16xf32>
      %add3A_213 = arith.addf %add3A_179, %mul3A_212 : vector<16xf32>
      %get3A_214 = arith.index_cast %scan3A_125 : i32 to index
      %get3A_215 = arith.constant 32 : index
      %get3A_216 = tpu.vector_load %arg6[%get3A_214, %get3A_215] {strides = array<i32>} : memref<32x200xf32, #tpu.memory_space<vmem>>, vector<16xf32>,
      %sign3A_217 = tpu.bitcast %get3A_216 : vector<16xf32> -> vector<16xi32>
      %sign3A_218 = arith.constant -2147483648 : i32
      %sign3A_219 = vector.broadcast %sign3A_218 : i32 to vector<16xi32>
      %sign3A_220 = arith.andi %sign3A_217, %sign3A_219 : vector<16xi32>
      %sign3A_221 = arith.constant 1065353216 : i32
      %sign3A_222 = vector.broadcast %sign3A_221 : i32 to vector<16xi32>
      %sign3A_223 = arith.ori %sign3A_222, %sign3A_220 : vector<16xi32>
      %sign3A_224 = tpu.bitcast %sign3A_223 : vector<16xi32> -> vector<16xf32>
      %sign3A_225 = math.absf %get3A_216 : vector<16xf32>
      %sign3A_226 = arith.constant 0.000000e+00 : f32
      %sign3A_227 = vector.broadcast %sign3A_226 : f32 to vector<16xf32>
      %sign3A_228 = arith.cmpf ogt, %sign3A_225, %sign3A_227 : vector<16xf32>
      %sign3A_229 = arith.select %sign3A_228, %sign3A_224, %get3A_216 : vector<16xi1>, vector<16xf32>
      %abs3A_230 = math.absf %get3A_216 : vector<16xf32>
      %exp3A_231 = math.exp %abs3A_230 : vector<16xf32>
      %sub3A_232 = arith.constant 1.000000e+00 : f32
      %sub3A_233 = vector.broadcast %sub3A_232 : f32 to vector<16xf32>
      %sub3A_234 = arith.subf %exp3A_231, %sub3A_233 : vector<16xf32>
      %mul3A_235 = arith.mulf %sign3A_229, %sub3A_234 : vector<16xf32>
      %get3A_236 = arith.index_cast %scan3A_125 : i32 to index
      %get3A_237 = arith.constant 32 : index
      %get3A_238 = tpu.vector_load %arg7[%get3A_236, %get3A_237] {strides = array<i32>} : memref<32x200xi32, #tpu.memory_space<vmem>>, vector<16xi32>,
      %jit3A_239 = arith.constant 0 : i32
      %jit3A_240 = arith.constant 99 : i32
      %max3A_241 = vector.broadcast %jit3A_239 : i32 to vector<16xi32>
      %max3A_242 = arith.maxsi %max3A_241, %get3A_238 : vector<16xi32>
      %min3A_243 = vector.broadcast %jit3A_240 : i32 to vector<16xi32>
      %min3A_244 = arith.minsi %min3A_243, %max3A_242 : vector<16xi32>
      %add3A_245 = arith.addf %add3A_211, %mul3A_235 : vector<16xf32>
      %mul3A_246 = arith.mulf %mul3A_235, %mul3A_235 : vector<16xf32>
      %add3A_247 = arith.addf %add3A_213, %mul3A_246 : vector<16xf32>
      %get3A_248 = arith.index_cast %scan3A_125 : i32 to index
      %get3A_249 = arith.constant 48 : index
      %get3A_250 = tpu.vector_load %arg6[%get3A_248, %get3A_249] {strides = array<i32>} : memref<32x200xf32, #tpu.memory_space<vmem>>, vector<16xf32>,
      %sign3A_251 = tpu.bitcast %get3A_250 : vector<16xf32> -> vector<16xi32>
      %sign3A_252 = arith.constant -2147483648 : i32
      %sign3A_253 = vector.broadcast %sign3A_252 : i32 to vector<16xi32>
      %sign3A_254 = arith.andi %sign3A_251, %sign3A_253 : vector<16xi32>
      %sign3A_255 = arith.constant 1065353216 : i32
      %sign3A_256 = vector.broadcast %sign3A_255 : i32 to vector<16xi32>
      %sign3A_257 = arith.ori %sign3A_256, %sign3A_254 : vector<16xi32>
      %sign3A_258 = tpu.bitcast %sign3A_257 : vector<16xi32> -> vector<16xf32>
      %sign3A_259 = math.absf %get3A_250 : vector<16xf32>
      %sign3A_260 = arith.constant 0.000000e+00 : f32
      %sign3A_261 = vector.broadcast %sign3A_260 : f32 to vector<16xf32>
      %sign3A_262 = arith.cmpf ogt, %sign3A_259, %sign3A_261 : vector<16xf32>
      %sign3A_263 = arith.select %sign3A_262, %sign3A_258, %get3A_250 : vector<16xi1>, vector<16xf32>
      %abs3A_264 = math.absf %get3A_250 : vector<16xf32>
      %exp3A_265 = math.exp %abs3A_264 : vector<16xf32>
      %sub3A_266 = arith.constant 1.000000e+00 : f32
      %sub3A_267 = vector.broadcast %sub3A_266 : f32 to vector<16xf32>
      %sub3A_268 = arith.subf %exp3A_265, %sub3A_267 : vector<16xf32>
      %mul3A_269 = arith.mulf %sign3A_263, %sub3A_268 : vector<16xf32>
      %get3A_270 = arith.index_cast %scan3A_125 : i32 to index
      %get3A_271 = arith.constant 48 : index
      %get3A_272 = tpu.vector_load %arg7[%get3A_270, %get3A_271] {strides = array<i32>} : memref<32x200xi32, #tpu.memory_space<vmem>>, vector<16xi32>,
      %jit3A_273 = arith.constant 0 : i32
      %jit3A_274 = arith.constant 99 : i32
      %max3A_275 = vector.broadcast %jit3A_273 : i32 to vector<16xi32>
      %max3A_276 = arith.maxsi %max3A_275, %get3A_272 : vector<16xi32>
      %min3A_277 = vector.broadcast %jit3A_274 : i32 to vector<16xi32>
      %min3A_278 = arith.minsi %min3A_277, %max3A_276 : vector<16xi32>
      %add3A_279 = arith.addf %add3A_245, %mul3A_269 : vector<16xf32>
      %mul3A_280 = arith.mulf %mul3A_269, %mul3A_269 : vector<16xf32>
      %add3A_281 = arith.addf %add3A_247, %mul3A_280 : vector<16xf32>
      %get3A_282 = arith.index_cast %scan3A_125 : i32 to index
      %get3A_283 = arith.constant 64 : index
      %get3A_284 = tpu.vector_load %arg6[%get3A_282, %get3A_283] {strides = array<i32>} : memref<32x200xf32, #tpu.memory_space<vmem>>, vector<16xf32>,
      %sign3A_285 = tpu.bitcast %get3A_284 : vector<16xf32> -> vector<16xi32>
      %sign3A_286 = arith.constant -2147483648 : i32
      %sign3A_287 = vector.broadcast %sign3A_286 : i32 to vector<16xi32>
      %sign3A_288 = arith.andi %sign3A_285, %sign3A_287 : vector<16xi32>
      %sign3A_289 = arith.constant 1065353216 : i32
      %sign3A_290 = vector.broadcast %sign3A_289 : i32 to vector<16xi32>
      %sign3A_291 = arith.ori %sign3A_290, %sign3A_288 : vector<16xi32>
      %sign3A_292 = tpu.bitcast %sign3A_291 : vector<16xi32> -> vector<16xf32>
      %sign3A_293 = math.absf %get3A_284 : vector<16xf32>
      %sign3A_294 = arith.constant 0.000000e+00 : f32
      %sign3A_295 = vector.broadcast %sign3A_294 : f32 to vector<16xf32>
      %sign3A_296 = arith.cmpf ogt, %sign3A_293, %sign3A_295 : vector<16xf32>
      %sign3A_297 = arith.select %sign3A_296, %sign3A_292, %get3A_284 : vector<16xi1>, vector<16xf32>
      %abs3A_298 = math.absf %get3A_284 : vector<16xf32>
      %exp3A_299 = math.exp %abs3A_298 : vector<16xf32>
      %sub3A_300 = arith.constant 1.000000e+00 : f32
      %sub3A_301 = vector.broadcast %sub3A_300 : f32 to vector<16xf32>
      %sub3A_302 = arith.subf %exp3A_299, %sub3A_301 : vector<16xf32>
      %mul3A_303 = arith.mulf %sign3A_297, %sub3A_302 : vector<16xf32>
      %get3A_304 = arith.index_cast %scan3A_125 : i32 to index
      %get3A_305 = arith.constant 64 : index
      %get3A_306 = tpu.vector_load %arg7[%get3A_304, %get3A_305] {strides = array<i32>} : memref<32x200xi32, #tpu.memory_space<vmem>>, vector<16xi32>,
      %jit3A_307 = arith.constant 0 : i32
      %jit3A_308 = arith.constant 99 : i32
      %max3A_309 = vector.broadcast %jit3A_307 : i32 to vector<16xi32>
      %max3A_310 = arith.maxsi %max3A_309, %get3A_306 : vector<16xi32>
      %min3A_311 = vector.broadcast %jit3A_308 : i32 to vector<16xi32>
      %min3A_312 = arith.minsi %min3A_311, %max3A_310 : vector<16xi32>
      %add3A_313 = arith.addf %add3A_279, %mul3A_303 : vector<16xf32>
      %mul3A_314 = arith.mulf %mul3A_303, %mul3A_303 : vector<16xf32>
      %add3A_315 = arith.addf %add3A_281, %mul3A_314 : vector<16xf32>
      %get3A_316 = arith.index_cast %scan3A_125 : i32 to index
      %get3A_317 = arith.constant 80 : index
      %get3A_318 = tpu.vector_load %arg6[%get3A_316, %get3A_317] {strides = array<i32>} : memref<32x200xf32, #tpu.memory_space<vmem>>, vector<16xf32>,
      %sign3A_319 = tpu.bitcast %get3A_318 : vector<16xf32> -> vector<16xi32>
      %sign3A_320 = arith.constant -2147483648 : i32
      %sign3A_321 = vector.broadcast %sign3A_320 : i32 to vector<16xi32>
      %sign3A_322 = arith.andi %sign3A_319, %sign3A_321 : vector<16xi32>
      %sign3A_323 = arith.constant 1065353216 : i32
      %sign3A_324 = vector.broadcast %sign3A_323 : i32 to vector<16xi32>
      %sign3A_325 = arith.ori %sign3A_324, %sign3A_322 : vector<16xi32>
      %sign3A_326 = tpu.bitcast %sign3A_325 : vector<16xi32> -> vector<16xf32>
      %sign3A_327 = math.absf %get3A_318 : vector<16xf32>
      %sign3A_328 = arith.constant 0.000000e+00 : f32
      %sign3A_329 = vector.broadcast %sign3A_328 : f32 to vector<16xf32>
      %sign3A_330 = arith.cmpf ogt, %sign3A_327, %sign3A_329 : vector<16xf32>
      %sign3A_331 = arith.select %sign3A_330, %sign3A_326, %get3A_318 : vector<16xi1>, vector<16xf32>
      %abs3A_332 = math.absf %get3A_318 : vector<16xf32>
      %exp3A_333 = math.exp %abs3A_332 : vector<16xf32>
      %sub3A_334 = arith.constant 1.000000e+00 : f32
      %sub3A_335 = vector.broadcast %sub3A_334 : f32 to vector<16xf32>
      %sub3A_336 = arith.subf %exp3A_333, %sub3A_335 : vector<16xf32>
      %mul3A_337 = arith.mulf %sign3A_331, %sub3A_336 : vector<16xf32>
      %get3A_338 = arith.index_cast %scan3A_125 : i32 to index
      %get3A_339 = arith.constant 80 : index
      %get3A_340 = tpu.vector_load %arg7[%get3A_338, %get3A_339] {strides = array<i32>} : memref<32x200xi32, #tpu.memory_space<vmem>>, vector<16xi32>,
      %jit3A_341 = arith.constant 0 : i32
      %jit3A_342 = arith.constant 99 : i32
      %max3A_343 = vector.broadcast %jit3A_341 : i32 to vector<16xi32>
      %max3A_344 = arith.maxsi %max3A_343, %get3A_340 : vector<16xi32>
      %min3A_345 = vector.broadcast %jit3A_342 : i32 to vector<16xi32>
      %min3A_346 = arith.minsi %min3A_345, %max3A_344 : vector<16xi32>
      %add3A_347 = arith.addf %add3A_313, %mul3A_337 : vector<16xf32>
      %mul3A_348 = arith.mulf %mul3A_337, %mul3A_337 : vector<16xf32>
      %add3A_349 = arith.addf %add3A_315, %mul3A_348 : vector<16xf32>
      %get3A_350 = arith.index_cast %scan3A_125 : i32 to index
      %get3A_351 = arith.constant 96 : index
      %get3A_352 = tpu.vector_load %arg6[%get3A_350, %get3A_351] {strides = array<i32>} : memref<32x200xf32, #tpu.memory_space<vmem>>, vector<16xf32>,
      %sign3A_353 = tpu.bitcast %get3A_352 : vector<16xf32> -> vector<16xi32>
      %sign3A_354 = arith.constant -2147483648 : i32
      %sign3A_355 = vector.broadcast %sign3A_354 : i32 to vector<16xi32>
      %sign3A_356 = arith.andi %sign3A_353, %sign3A_355 : vector<16xi32>
      %sign3A_357 = arith.constant 1065353216 : i32
      %sign3A_358 = vector.broadcast %sign3A_357 : i32 to vector<16xi32>
      %sign3A_359 = arith.ori %sign3A_358, %sign3A_356 : vector<16xi32>
      %sign3A_360 = tpu.bitcast %sign3A_359 : vector<16xi32> -> vector<16xf32>
      %sign3A_361 = math.absf %get3A_352 : vector<16xf32>
      %sign3A_362 = arith.constant 0.000000e+00 : f32
      %sign3A_363 = vector.broadcast %sign3A_362 : f32 to vector<16xf32>
      %sign3A_364 = arith.cmpf ogt, %sign3A_361, %sign3A_363 : vector<16xf32>
      %sign3A_365 = arith.select %sign3A_364, %sign3A_360, %get3A_352 : vector<16xi1>, vector<16xf32>
      %abs3A_366 = math.absf %get3A_352 : vector<16xf32>
      %exp3A_367 = math.exp %abs3A_366 : vector<16xf32>
      %sub3A_368 = arith.constant 1.000000e+00 : f32
      %sub3A_369 = vector.broadcast %sub3A_368 : f32 to vector<16xf32>
      %sub3A_370 = arith.subf %exp3A_367, %sub3A_369 : vector<16xf32>
      %mul3A_371 = arith.mulf %sign3A_365, %sub3A_370 : vector<16xf32>
      %get3A_372 = arith.index_cast %scan3A_125 : i32 to index
      %get3A_373 = arith.constant 96 : index
      %get3A_374 = tpu.vector_load %arg7[%get3A_372, %get3A_373] {strides = array<i32>} : memref<32x200xi32, #tpu.memory_space<vmem>>, vector<16xi32>,
      %jit3A_375 = arith.constant 0 : i32
      %jit3A_376 = arith.constant 99 : i32
      %max3A_377 = vector.broadcast %jit3A_375 : i32 to vector<16xi32>
      %max3A_378 = arith.maxsi %max3A_377, %get3A_374 : vector<16xi32>
      %min3A_379 = vector.broadcast %jit3A_376 : i32 to vector<16xi32>
      %min3A_380 = arith.minsi %min3A_379, %max3A_378 : vector<16xi32>
      %add3A_381 = arith.addf %add3A_347, %mul3A_371 : vector<16xf32>
      %mul3A_382 = arith.mulf %mul3A_371, %mul3A_371 : vector<16xf32>
      %add3A_383 = arith.addf %add3A_349, %mul3A_382 : vector<16xf32>
      %get3A_384 = arith.index_cast %scan3A_125 : i32 to index
      %get3A_385 = arith.constant 112 : index
      %get3A_386 = tpu.vector_load %arg6[%get3A_384, %get3A_385] {strides = array<i32>} : memref<32x200xf32, #tpu.memory_space<vmem>>, vector<16xf32>,
      %sign3A_387 = tpu.bitcast %get3A_386 : vector<16xf32> -> vector<16xi32>
      %sign3A_388 = arith.constant -2147483648 : i32
      %sign3A_389 = vector.broadcast %sign3A_388 : i32 to vector<16xi32>
      %sign3A_390 = arith.andi %sign3A_387, %sign3A_389 : vector<16xi32>
      %sign3A_391 = arith.constant 1065353216 : i32
      %sign3A_392 = vector.broadcast %sign3A_391 : i32 to vector<16xi32>
      %sign3A_393 = arith.ori %sign3A_392, %sign3A_390 : vector<16xi32>
      %sign3A_394 = tpu.bitcast %sign3A_393 : vector<16xi32> -> vector<16xf32>
      %sign3A_395 = math.absf %get3A_386 : vector<16xf32>
      %sign3A_396 = arith.constant 0.000000e+00 : f32
      %sign3A_397 = vector.broadcast %sign3A_396 : f32 to vector<16xf32>
      %sign3A_398 = arith.cmpf ogt, %sign3A_395, %sign3A_397 : vector<16xf32>
      %sign3A_399 = arith.select %sign3A_398, %sign3A_394, %get3A_386 : vector<16xi1>, vector<16xf32>
      %abs3A_400 = math.absf %get3A_386 : vector<16xf32>
      %exp3A_401 = math.exp %abs3A_400 : vector<16xf32>
      %sub3A_402 = arith.constant 1.000000e+00 : f32
      %sub3A_403 = vector.broadcast %sub3A_402 : f32 to vector<16xf32>
      %sub3A_404 = arith.subf %exp3A_401, %sub3A_403 : vector<16xf32>
      %mul3A_405 = arith.mulf %sign3A_399, %sub3A_404 : vector<16xf32>
      %get3A_406 = arith.index_cast %scan3A_125 : i32 to index
      %get3A_407 = arith.constant 112 : index
      %get3A_408 = tpu.vector_load %arg7[%get3A_406, %get3A_407] {strides = array<i32>} : memref<32x200xi32, #tpu.memory_space<vmem>>, vector<16xi32>,
      %jit3A_409 = arith.constant 0 : i32
      %jit3A_410 = arith.constant 99 : i32
      %max3A_411 = vector.broadcast %jit3A_409 : i32 to vector<16xi32>
      %max3A_412 = arith.maxsi %max3A_411, %get3A_408 : vector<16xi32>
      %min3A_413 = vector.broadcast %jit3A_410 : i32 to vector<16xi32>
      %min3A_414 = arith.minsi %min3A_413, %max3A_412 : vector<16xi32>
      %add3A_415 = arith.addf %add3A_381, %mul3A_405 : vector<16xf32>
      %mul3A_416 = arith.mulf %mul3A_405, %mul3A_405 : vector<16xf32>
      %add3A_417 = arith.addf %add3A_383, %mul3A_416 : vector<16xf32>
      %get3A_418 = arith.index_cast %scan3A_125 : i32 to index
      %get3A_419 = arith.constant 128 : index
      %get3A_420 = tpu.vector_load %arg6[%get3A_418, %get3A_419] {strides = array<i32>} : memref<32x200xf32, #tpu.memory_space<vmem>>, vector<16xf32>,
      %sign3A_421 = tpu.bitcast %get3A_420 : vector<16xf32> -> vector<16xi32>
      %sign3A_422 = arith.constant -2147483648 : i32
      %sign3A_423 = vector.broadcast %sign3A_422 : i32 to vector<16xi32>
      %sign3A_424 = arith.andi %sign3A_421, %sign3A_423 : vector<16xi32>
      %sign3A_425 = arith.constant 1065353216 : i32
      %sign3A_426 = vector.broadcast %sign3A_425 : i32 to vector<16xi32>
      %sign3A_427 = arith.ori %sign3A_426, %sign3A_424 : vector<16xi32>
      %sign3A_428 = tpu.bitcast %sign3A_427 : vector<16xi32> -> vector<16xf32>
      %sign3A_429 = math.absf %get3A_420 : vector<16xf32>
      %sign3A_430 = arith.constant 0.000000e+00 : f32
      %sign3A_431 = vector.broadcast %sign3A_430 : f32 to vector<16xf32>
      %sign3A_432 = arith.cmpf ogt, %sign3A_429, %sign3A_431 : vector<16xf32>
      %sign3A_433 = arith.select %sign3A_432, %sign3A_428, %get3A_420 : vector<16xi1>, vector<16xf32>
      %abs3A_434 = math.absf %get3A_420 : vector<16xf32>
      %exp3A_435 = math.exp %abs3A_434 : vector<16xf32>
      %sub3A_436 = arith.constant 1.000000e+00 : f32
      %sub3A_437 = vector.broadcast %sub3A_436 : f32 to vector<16xf32>
      %sub3A_438 = arith.subf %exp3A_435, %sub3A_437 : vector<16xf32>
      %mul3A_439 = arith.mulf %sign3A_433, %sub3A_438 : vector<16xf32>
      %get3A_440 = arith.index_cast %scan3A_125 : i32 to index
      %get3A_441 = arith.constant 128 : index
      %get3A_442 = tpu.vector_load %arg7[%get3A_440, %get3A_441] {strides = array<i32>} : memref<32x200xi32, #tpu.memory_space<vmem>>, vector<16xi32>,
      %jit3A_443 = arith.constant 0 : i32
      %jit3A_444 = arith.constant 99 : i32
      %max3A_445 = vector.broadcast %jit3A_443 : i32 to vector<16xi32>
      %max3A_446 = arith.maxsi %max3A_445, %get3A_442 : vector<16xi32>
      %min3A_447 = vector.broadcast %jit3A_444 : i32 to vector<16xi32>
      %min3A_448 = arith.minsi %min3A_447, %max3A_446 : vector<16xi32>
      %add3A_449 = arith.addf %add3A_415, %mul3A_439 : vector<16xf32>
      %mul3A_450 = arith.mulf %mul3A_439, %mul3A_439 : vector<16xf32>
      %add3A_451 = arith.addf %add3A_417, %mul3A_450 : vector<16xf32>
      %get3A_452 = arith.index_cast %scan3A_125 : i32 to index
      %get3A_453 = arith.constant 144 : index
      %get3A_454 = tpu.vector_load %arg6[%get3A_452, %get3A_453] {strides = array<i32>} : memref<32x200xf32, #tpu.memory_space<vmem>>, vector<16xf32>,
      %sign3A_455 = tpu.bitcast %get3A_454 : vector<16xf32> -> vector<16xi32>
      %sign3A_456 = arith.constant -2147483648 : i32
      %sign3A_457 = vector.broadcast %sign3A_456 : i32 to vector<16xi32>
      %sign3A_458 = arith.andi %sign3A_455, %sign3A_457 : vector<16xi32>
      %sign3A_459 = arith.constant 1065353216 : i32
      %sign3A_460 = vector.broadcast %sign3A_459 : i32 to vector<16xi32>
      %sign3A_461 = arith.ori %sign3A_460, %sign3A_458 : vector<16xi32>
      %sign3A_462 = tpu.bitcast %sign3A_461 : vector<16xi32> -> vector<16xf32>
      %sign3A_463 = math.absf %get3A_454 : vector<16xf32>
      %sign3A_464 = arith.constant 0.000000e+00 : f32
      %sign3A_465 = vector.broadcast %sign3A_464 : f32 to vector<16xf32>
      %sign3A_466 = arith.cmpf ogt, %sign3A_463, %sign3A_465 : vector<16xf32>
      %sign3A_467 = arith.select %sign3A_466, %sign3A_462, %get3A_454 : vector<16xi1>, vector<16xf32>
      %abs3A_468 = math.absf %get3A_454 : vector<16xf32>
      %exp3A_469 = math.exp %abs3A_468 : vector<16xf32>
      %sub3A_470 = arith.constant 1.000000e+00 : f32
      %sub3A_471 = vector.broadcast %sub3A_470 : f32 to vector<16xf32>
      %sub3A_472 = arith.subf %exp3A_469, %sub3A_471 : vector<16xf32>
      %mul3A_473 = arith.mulf %sign3A_467, %sub3A_472 : vector<16xf32>
      %get3A_474 = arith.index_cast %scan3A_125 : i32 to index
      %get3A_475 = arith.constant 144 : index
      %get3A_476 = tpu.vector_load %arg7[%get3A_474, %get3A_475] {strides = array<i32>} : memref<32x200xi32, #tpu.memory_space<vmem>>, vector<16xi32>,
      %jit3A_477 = arith.constant 0 : i32
      %jit3A_478 = arith.constant 99 : i32
      %max3A_479 = vector.broadcast %jit3A_477 : i32 to vector<16xi32>
      %max3A_480 = arith.maxsi %max3A_479, %get3A_476 : vector<16xi32>
      %min3A_481 = vector.broadcast %jit3A_478 : i32 to vector<16xi32>
      %min3A_482 = arith.minsi %min3A_481, %max3A_480 : vector<16xi32>
      %add3A_483 = arith.addf %add3A_449, %mul3A_473 : vector<16xf32>
      %mul3A_484 = arith.mulf %mul3A_473, %mul3A_473 : vector<16xf32>
      %add3A_485 = arith.addf %add3A_451, %mul3A_484 : vector<16xf32>
      %get3A_486 = arith.index_cast %scan3A_125 : i32 to index
      %get3A_487 = arith.constant 160 : index
      %get3A_488 = tpu.vector_load %arg6[%get3A_486, %get3A_487] {strides = array<i32>} : memref<32x200xf32, #tpu.memory_space<vmem>>, vector<16xf32>,
      %sign3A_489 = tpu.bitcast %get3A_488 : vector<16xf32> -> vector<16xi32>
      %sign3A_490 = arith.constant -2147483648 : i32
      %sign3A_491 = vector.broadcast %sign3A_490 : i32 to vector<16xi32>
      %sign3A_492 = arith.andi %sign3A_489, %sign3A_491 : vector<16xi32>
      %sign3A_493 = arith.constant 1065353216 : i32
      %sign3A_494 = vector.broadcast %sign3A_493 : i32 to vector<16xi32>
      %sign3A_495 = arith.ori %sign3A_494, %sign3A_492 : vector<16xi32>
      %sign3A_496 = tpu.bitcast %sign3A_495 : vector<16xi32> -> vector<16xf32>
      %sign3A_497 = math.absf %get3A_488 : vector<16xf32>
      %sign3A_498 = arith.constant 0.000000e+00 : f32
      %sign3A_499 = vector.broadcast %sign3A_498 : f32 to vector<16xf32>
      %sign3A_500 = arith.cmpf ogt, %sign3A_497, %sign3A_499 : vector<16xf32>
      %sign3A_501 = arith.select %sign3A_500, %sign3A_496, %get3A_488 : vector<16xi1>, vector<16xf32>
      %abs3A_502 = math.absf %get3A_488 : vector<16xf32>
      %exp3A_503 = math.exp %abs3A_502 : vector<16xf32>
      %sub3A_504 = arith.constant 1.000000e+00 : f32
      %sub3A_505 = vector.broadcast %sub3A_504 : f32 to vector<16xf32>
      %sub3A_506 = arith.subf %exp3A_503, %sub3A_505 : vector<16xf32>
      %mul3A_507 = arith.mulf %sign3A_501, %sub3A_506 : vector<16xf32>
      %get3A_508 = arith.index_cast %scan3A_125 : i32 to index
      %get3A_509 = arith.constant 160 : index
      %get3A_510 = tpu.vector_load %arg7[%get3A_508, %get3A_509] {strides = array<i32>} : memref<32x200xi32, #tpu.memory_space<vmem>>, vector<16xi32>,
      %jit3A_511 = arith.constant 0 : i32
      %jit3A_512 = arith.constant 99 : i32
      %max3A_513 = vector.broadcast %jit3A_511 : i32 to vector<16xi32>
      %max3A_514 = arith.maxsi %max3A_513, %get3A_510 : vector<16xi32>
      %min3A_515 = vector.broadcast %jit3A_512 : i32 to vector<16xi32>
      %min3A_516 = arith.minsi %min3A_515, %max3A_514 : vector<16xi32>
      %add3A_517 = arith.addf %add3A_483, %mul3A_507 : vector<16xf32>
      %mul3A_518 = arith.mulf %mul3A_507, %mul3A_507 : vector<16xf32>
      %add3A_519 = arith.addf %add3A_485, %mul3A_518 : vector<16xf32>
      %get3A_520 = arith.index_cast %scan3A_125 : i32 to index
      %get3A_521 = arith.constant 176 : index
      %get3A_522 = tpu.vector_load %arg6[%get3A_520, %get3A_521] {strides = array<i32>} : memref<32x200xf32, #tpu.memory_space<vmem>>, vector<16xf32>,
      %sign3A_523 = tpu.bitcast %get3A_522 : vector<16xf32> -> vector<16xi32>
      %sign3A_524 = arith.constant -2147483648 : i32
      %sign3A_525 = vector.broadcast %sign3A_524 : i32 to vector<16xi32>
      %sign3A_526 = arith.andi %sign3A_523, %sign3A_525 : vector<16xi32>
      %sign3A_527 = arith.constant 1065353216 : i32
      %sign3A_528 = vector.broadcast %sign3A_527 : i32 to vector<16xi32>
      %sign3A_529 = arith.ori %sign3A_528, %sign3A_526 : vector<16xi32>
      %sign3A_530 = tpu.bitcast %sign3A_529 : vector<16xi32> -> vector<16xf32>
      %sign3A_531 = math.absf %get3A_522 : vector<16xf32>
      %sign3A_532 = arith.constant 0.000000e+00 : f32
      %sign3A_533 = vector.broadcast %sign3A_532 : f32 to vector<16xf32>
      %sign3A_534 = arith.cmpf ogt, %sign3A_531, %sign3A_533 : vector<16xf32>
      %sign3A_535 = arith.select %sign3A_534, %sign3A_530, %get3A_522 : vector<16xi1>, vector<16xf32>
      %abs3A_536 = math.absf %get3A_522 : vector<16xf32>
      %exp3A_537 = math.exp %abs3A_536 : vector<16xf32>
      %sub3A_538 = arith.constant 1.000000e+00 : f32
      %sub3A_539 = vector.broadcast %sub3A_538 : f32 to vector<16xf32>
      %sub3A_540 = arith.subf %exp3A_537, %sub3A_539 : vector<16xf32>
      %mul3A_541 = arith.mulf %sign3A_535, %sub3A_540 : vector<16xf32>
      %get3A_542 = arith.index_cast %scan3A_125 : i32 to index
      %get3A_543 = arith.constant 176 : index
      %get3A_544 = tpu.vector_load %arg7[%get3A_542, %get3A_543] {strides = array<i32>} : memref<32x200xi32, #tpu.memory_space<vmem>>, vector<16xi32>,
      %jit3A_545 = arith.constant 0 : i32
      %jit3A_546 = arith.constant 99 : i32
      %max3A_547 = vector.broadcast %jit3A_545 : i32 to vector<16xi32>
      %max3A_548 = arith.maxsi %max3A_547, %get3A_544 : vector<16xi32>
      %min3A_549 = vector.broadcast %jit3A_546 : i32 to vector<16xi32>
      %min3A_550 = arith.minsi %min3A_549, %max3A_548 : vector<16xi32>
      %add3A_551 = arith.addf %add3A_517, %mul3A_541 : vector<16xf32>
      %mul3A_552 = arith.mulf %mul3A_541, %mul3A_541 : vector<16xf32>
      %add3A_553 = arith.addf %add3A_519, %mul3A_552 : vector<16xf32>
      %get3A_554 = arith.index_cast %scan3A_125 : i32 to index
      %get3A_555 = arith.constant 184 : index
      %get3A_556 = tpu.vector_load %arg6[%get3A_554, %get3A_555] {strides = array<i32>} : memref<32x200xf32, #tpu.memory_space<vmem>>, vector<16xf32>,
      %sign3A_557 = tpu.bitcast %get3A_556 : vector<16xf32> -> vector<16xi32>
      %sign3A_558 = arith.constant -2147483648 : i32
      %sign3A_559 = vector.broadcast %sign3A_558 : i32 to vector<16xi32>
      %sign3A_560 = arith.andi %sign3A_557, %sign3A_559 : vector<16xi32>
      %sign3A_561 = arith.constant 1065353216 : i32
      %sign3A_562 = vector.broadcast %sign3A_561 : i32 to vector<16xi32>
      %sign3A_563 = arith.ori %sign3A_562, %sign3A_560 : vector<16xi32>
      %sign3A_564 = tpu.bitcast %sign3A_563 : vector<16xi32> -> vector<16xf32>
      %sign3A_565 = math.absf %get3A_556 : vector<16xf32>
      %sign3A_566 = arith.constant 0.000000e+00 : f32
      %sign3A_567 = vector.broadcast %sign3A_566 : f32 to vector<16xf32>
      %sign3A_568 = arith.cmpf ogt, %sign3A_565, %sign3A_567 : vector<16xf32>
      %sign3A_569 = arith.select %sign3A_568, %sign3A_564, %get3A_556 : vector<16xi1>, vector<16xf32>
      %abs3A_570 = math.absf %get3A_556 : vector<16xf32>
      %exp3A_571 = math.exp %abs3A_570 : vector<16xf32>
      %sub3A_572 = arith.constant 1.000000e+00 : f32
      %sub3A_573 = vector.broadcast %sub3A_572 : f32 to vector<16xf32>
      %sub3A_574 = arith.subf %exp3A_571, %sub3A_573 : vector<16xf32>
      %mul3A_575 = arith.mulf %sign3A_569, %sub3A_574 : vector<16xf32>
      %get3A_576 = arith.index_cast %scan3A_125 : i32 to index
      %get3A_577 = arith.constant 184 : index
      %get3A_578 = tpu.vector_load %arg7[%get3A_576, %get3A_577] {strides = array<i32>} : memref<32x200xi32, #tpu.memory_space<vmem>>, vector<16xi32>,
      %jit3A_579 = arith.constant 0 : i32
      %jit3A_580 = arith.constant 99 : i32
      %max3A_581 = vector.broadcast %jit3A_579 : i32 to vector<16xi32>
      %max3A_582 = arith.maxsi %max3A_581, %get3A_578 : vector<16xi32>
      %min3A_583 = vector.broadcast %jit3A_580 : i32 to vector<16xi32>
      %min3A_584 = arith.minsi %min3A_583, %max3A_582 : vector<16xi32>
      %jit3A_585 = arith.constant 0.000000e+00 : f32
      %broadcast_in_dim3A_586 = vector.broadcast %jit3A_585 : f32 to vector<16xf32>
      %select_n3A = arith.select %ge3A_50, %mul3A_575, %broadcast_in_dim3A_586 : vector<16xi1>, vector<16xf32>
      %jit3A_587 = arith.constant 0 : i32
      %broadcast_in_dim3A_588 = vector.broadcast %jit3A_587 : i32 to vector<16xi32>
      %select_n3A_589 = arith.select %ge3A_50, %min3A_584, %broadcast_in_dim3A_588 : vector<16xi1>, vector<16xi32>
      %add3A_590 = arith.addf %add3A_551, %select_n3A : vector<16xf32>
      %mul3A_591 = arith.mulf %select_n3A, %select_n3A : vector<16xf32>
      %add3A_592 = arith.addf %add3A_553, %mul3A_591 : vector<16xf32>
      tpu.vector_store_idx %arg10[%min3A_176], %broadcast_in_dim3A_48 {add = true} : memref<128xf32, #tpu.memory_space<vmem>>[vector<16xi32>], vector<16xf32>,
      tpu.vector_store_idx %arg11[%min3A_176], %mul3A_170 {add = true} : memref<128xf32, #tpu.memory_space<vmem>>[vector<16xi32>], vector<16xf32>,
      tpu.vector_store_idx %arg10[%min3A_210], %broadcast_in_dim3A_48 {add = true} : memref<128xf32, #tpu.memory_space<vmem>>[vector<16xi32>], vector<16xf32>,
      tpu.vector_store_idx %arg11[%min3A_210], %mul3A_201 {add = true} : memref<128xf32, #tpu.memory_space<vmem>>[vector<16xi32>], vector<16xf32>,
      tpu.vector_store_idx %arg10[%min3A_244], %broadcast_in_dim3A_48 {add = true} : memref<128xf32, #tpu.memory_space<vmem>>[vector<16xi32>], vector<16xf32>,
      tpu.vector_store_idx %arg11[%min3A_244], %mul3A_235 {add = true} : memref<128xf32, #tpu.memory_space<vmem>>[vector<16xi32>], vector<16xf32>,
      tpu.vector_store_idx %arg10[%min3A_278], %broadcast_in_dim3A_48 {add = true} : memref<128xf32, #tpu.memory_space<vmem>>[vector<16xi32>], vector<16xf32>,
      tpu.vector_store_idx %arg11[%min3A_278], %mul3A_269 {add = true} : memref<128xf32, #tpu.memory_space<vmem>>[vector<16xi32>], vector<16xf32>,
      tpu.vector_store_idx %arg10[%min3A_312], %broadcast_in_dim3A_48 {add = true} : memref<128xf32, #tpu.memory_space<vmem>>[vector<16xi32>], vector<16xf32>,
      tpu.vector_store_idx %arg11[%min3A_312], %mul3A_303 {add = true} : memref<128xf32, #tpu.memory_space<vmem>>[vector<16xi32>], vector<16xf32>,
      tpu.vector_store_idx %arg10[%min3A_346], %broadcast_in_dim3A_48 {add = true} : memref<128xf32, #tpu.memory_space<vmem>>[vector<16xi32>], vector<16xf32>,
      tpu.vector_store_idx %arg11[%min3A_346], %mul3A_337 {add = true} : memref<128xf32, #tpu.memory_space<vmem>>[vector<16xi32>], vector<16xf32>,
      tpu.vector_store_idx %arg10[%min3A_380], %broadcast_in_dim3A_48 {add = true} : memref<128xf32, #tpu.memory_space<vmem>>[vector<16xi32>], vector<16xf32>,
      tpu.vector_store_idx %arg11[%min3A_380], %mul3A_371 {add = true} : memref<128xf32, #tpu.memory_space<vmem>>[vector<16xi32>], vector<16xf32>,
      tpu.vector_store_idx %arg10[%min3A_414], %broadcast_in_dim3A_48 {add = true} : memref<128xf32, #tpu.memory_space<vmem>>[vector<16xi32>], vector<16xf32>,
      tpu.vector_store_idx %arg11[%min3A_414], %mul3A_405 {add = true} : memref<128xf32, #tpu.memory_space<vmem>>[vector<16xi32>], vector<16xf32>,
      tpu.vector_store_idx %arg10[%min3A_448], %broadcast_in_dim3A_48 {add = true} : memref<128xf32, #tpu.memory_space<vmem>>[vector<16xi32>], vector<16xf32>,
      tpu.vector_store_idx %arg11[%min3A_448], %mul3A_439 {add = true} : memref<128xf32, #tpu.memory_space<vmem>>[vector<16xi32>], vector<16xf32>,
      tpu.vector_store_idx %arg10[%min3A_482], %broadcast_in_dim3A_48 {add = true} : memref<128xf32, #tpu.memory_space<vmem>>[vector<16xi32>], vector<16xf32>,
      tpu.vector_store_idx %arg11[%min3A_482], %mul3A_473 {add = true} : memref<128xf32, #tpu.memory_space<vmem>>[vector<16xi32>], vector<16xf32>,
      tpu.vector_store_idx %arg10[%min3A_516], %broadcast_in_dim3A_48 {add = true} : memref<128xf32, #tpu.memory_space<vmem>>[vector<16xi32>], vector<16xf32>,
      tpu.vector_store_idx %arg11[%min3A_516], %mul3A_507 {add = true} : memref<128xf32, #tpu.memory_space<vmem>>[vector<16xi32>], vector<16xf32>,
      tpu.vector_store_idx %arg10[%min3A_550], %broadcast_in_dim3A_48 {add = true} : memref<128xf32, #tpu.memory_space<vmem>>[vector<16xi32>], vector<16xf32>,
      tpu.vector_store_idx %arg11[%min3A_550], %mul3A_541 {add = true} : memref<128xf32, #tpu.memory_space<vmem>>[vector<16xi32>], vector<16xf32>,
      tpu.vector_store_idx %arg10[%select_n3A_589], %broadcast_in_dim3A_48 {add = true} : memref<128xf32, #tpu.memory_space<vmem>>[vector<16xi32>], vector<16xf32>,
      tpu.vector_store_idx %arg11[%min3A_584], %select_n3A {add = true} : memref<128xf32, #tpu.memory_space<vmem>>[vector<16xi32>], vector<16xf32>,
      %reduce_sum3A = arith.constant true
      %reduce_sum3A_593 = vector.broadcast %reduce_sum3A : i1 to vector<16xi1>
      %reduce_sum3A_594 = tpu.scan <sum>, %add3A_590 masked %reduce_sum3A_593 : vector<16xf32>, vector<16xi1> -> vector<16xf32>
      %reduce_sum3A_595 = vector.extract %reduce_sum3A_594[15] : f32 from vector<16xf32>
      %broadcast_in_dim3A_596 = vector.broadcast %reduce_sum3A_595 : f32 to vector<16xf32>
      %reduce_sum3A_597 = arith.constant true
      %reduce_sum3A_598 = vector.broadcast %reduce_sum3A_597 : i1 to vector<16xi1>
      %reduce_sum3A_599 = tpu.scan <sum>, %add3A_592 masked %reduce_sum3A_598 : vector<16xf32>, vector<16xi1> -> vector<16xf32>
      %reduce_sum3A_600 = vector.extract %reduce_sum3A_599[15] : f32 from vector<16xf32>
      %broadcast_in_dim3A_601 = vector.broadcast %reduce_sum3A_600 : f32 to vector<16xf32>
      %get3A_602 = arith.index_cast %scan3A_125 : i32 to index
      %get3A_603 = tpu.vector_load %arg8[%get3A_602] {strides = array<i32>} : memref<48xi32, #tpu.memory_space<vmem>>, vector<16xi32>,
      %slice3A = vector.extract_strided_slice %get3A_603 {offsets = [0], sizes = [1], strides = [1]} : vector<16xi32> to vector<1xi32>
      %squeeze3A = vector.extract %slice3A[0] : i32 from vector<1xi32>
      %convert_element_type3A = arith.sitofp %squeeze3A : i32 to f32
      %broadcast_in_dim3A_604 = vector.broadcast %convert_element_type3A : f32 to vector<16xf32>
      %add3A_605 = arith.constant 9.99999971E-10 : f32
      %add3A_606 = vector.broadcast %add3A_605 : f32 to vector<16xf32>
      %add3A_607 = arith.addf %broadcast_in_dim3A_604, %add3A_606 : vector<16xf32>
      %div3A = arith.divf %broadcast_in_dim3A_596, %add3A_607 : vector<16xf32>
      %mul3A_608 = arith.mulf %broadcast_in_dim3A_596, %broadcast_in_dim3A_596 : vector<16xf32>
      %add3A_609 = arith.constant 9.99999971E-10 : f32
      %add3A_610 = vector.broadcast %add3A_609 : f32 to vector<16xf32>
      %add3A_611 = arith.addf %broadcast_in_dim3A_604, %add3A_610 : vector<16xf32>
      %div3A_612 = arith.divf %mul3A_608, %add3A_611 : vector<16xf32>
      %sub3A_613 = arith.subf %broadcast_in_dim3A_601, %div3A_612 : vector<16xf32>
      %max3A_614 = arith.constant 0.000000e+00 : f32
      %max3A_615 = vector.broadcast %max3A_614 : f32 to vector<16xf32>
      %max3A_616 = arith.maximumf %sub3A_613, %max3A_615 : vector<16xf32>
      %sub3A_617 = arith.constant 1.000000e+00 : f32
      %sub3A_618 = vector.broadcast %sub3A_617 : f32 to vector<16xf32>
      %sub3A_619 = arith.subf %broadcast_in_dim3A_604, %sub3A_618 : vector<16xf32>
      %max3A_620 = arith.constant 0.000000e+00 : f32
      %max3A_621 = vector.broadcast %max3A_620 : f32 to vector<16xf32>
      %max3A_622 = arith.maximumf %sub3A_619, %max3A_621 : vector<16xf32>
      %add3A_623 = arith.constant 9.99999971E-10 : f32
      %add3A_624 = vector.broadcast %add3A_623 : f32 to vector<16xf32>
      %add3A_625 = arith.addf %max3A_622, %add3A_624 : vector<16xf32>
      %div3A_626 = arith.divf %max3A_616, %add3A_625 : vector<16xf32>
      %broadcast_in_dim3A_627 = vector.broadcast %scan3A_125 : i32 to vector<16xi32>
      %get3A_628 = arith.constant 0 : index
      %get3A_629 = tpu.vector_load %arg10[%get3A_628] {strides = array<i32>} : memref<128xf32, #tpu.memory_space<vmem>>, vector<16xf32>,
      %get3A_630 = arith.constant 0 : index
      %get3A_631 = tpu.vector_load %arg11[%get3A_630] {strides = array<i32>} : memref<128xf32, #tpu.memory_space<vmem>>, vector<16xf32>,
      %eq3A = arith.constant 0 : i32
      %eq3A_632 = vector.broadcast %eq3A : i32 to vector<16xi32>
      %eq3A_633 = arith.cmpi eq, %iota3A, %eq3A_632 : vector<16xi32>
      %jit3A_634 = arith.constant 0.000000e+00 : f32
      %broadcast_in_dim3A_635 = vector.broadcast %jit3A_634 : f32 to vector<16xf32>
      %select_n3A_636 = arith.select %eq3A_633, %broadcast_in_dim3A_635, %get3A_629 : vector<16xi1>, vector<16xf32>
      %add3A_637 = arith.constant 9.99999971E-10 : f32
      %add3A_638 = vector.broadcast %add3A_637 : f32 to vector<16xf32>
      %add3A_639 = arith.addf %select_n3A_636, %add3A_638 : vector<16xf32>
      %div3A_640 = arith.divf %get3A_631, %add3A_639 : vector<16xf32>
      %gt3A = arith.constant 0.000000e+00 : f32
      %gt3A_641 = vector.broadcast %gt3A : f32 to vector<16xf32>
      %gt3A_642 = arith.cmpf ogt, %select_n3A_636, %gt3A_641 : vector<16xf32>
      %jit3A_643 = arith.constant 1.000000e+00 : f32
      %jit3A_644 = arith.constant 0.000000e+00 : f32
      %broadcast_in_dim3A_645 = vector.broadcast %jit3A_643 : f32 to vector<16xf32>
      %broadcast_in_dim3A_646 = vector.broadcast %jit3A_644 : f32 to vector<16xf32>
      %select_n3A_647 = arith.select %gt3A_642, %broadcast_in_dim3A_645, %broadcast_in_dim3A_646 : vector<16xi1>, vector<16xf32>
      %add3A_648 = arith.addf %broadcast_in_dim3A_46, %select_n3A_647 : vector<16xf32>
      %add3A_649 = arith.constant 4 : i32
      %add3A_650 = vector.broadcast %add3A_649 : i32 to vector<16xi32>
      %add3A_651 = arith.addi %add3A_650, %iota3A : vector<16xi32>
      tpu.vector_store_idx %arg9[%broadcast_in_dim3A_627, %add3A_651], %select_n3A_636 : memref<32x205xf32, #tpu.memory_space<vmem>>[vector<16xi32>, vector<16xi32>], vector<16xf32>,
      %add3A_652 = arith.constant 104 : i32
      %add3A_653 = vector.broadcast %add3A_652 : i32 to vector<16xi32>
      %add3A_654 = arith.addi %add3A_653, %iota3A : vector<16xi32>
      tpu.vector_store_idx %arg9[%broadcast_in_dim3A_627, %add3A_654], %div3A_640 : memref<32x205xf32, #tpu.memory_space<vmem>>[vector<16xi32>, vector<16xi32>], vector<16xf32>,
      %get3A_655 = arith.constant 16 : index
      %get3A_656 = tpu.vector_load %arg10[%get3A_655] {strides = array<i32>} : memref<128xf32, #tpu.memory_space<vmem>>, vector<16xf32>,
      %get3A_657 = arith.constant 16 : index
      %get3A_658 = tpu.vector_load %arg11[%get3A_657] {strides = array<i32>} : memref<128xf32, #tpu.memory_space<vmem>>, vector<16xf32>,
      %add3A_659 = arith.constant 9.99999971E-10 : f32
      %add3A_660 = vector.broadcast %add3A_659 : f32 to vector<16xf32>
      %add3A_661 = arith.addf %get3A_656, %add3A_660 : vector<16xf32>
      %div3A_662 = arith.divf %get3A_658, %add3A_661 : vector<16xf32>
      %gt3A_663 = arith.constant 0.000000e+00 : f32
      %gt3A_664 = vector.broadcast %gt3A_663 : f32 to vector<16xf32>
      %gt3A_665 = arith.cmpf ogt, %get3A_656, %gt3A_664 : vector<16xf32>
      %jit3A_666 = arith.constant 1.000000e+00 : f32
      %jit3A_667 = arith.constant 0.000000e+00 : f32
      %broadcast_in_dim3A_668 = vector.broadcast %jit3A_666 : f32 to vector<16xf32>
      %broadcast_in_dim3A_669 = vector.broadcast %jit3A_667 : f32 to vector<16xf32>
      %select_n3A_670 = arith.select %gt3A_665, %broadcast_in_dim3A_668, %broadcast_in_dim3A_669 : vector<16xi1>, vector<16xf32>
      %add3A_671 = arith.addf %add3A_648, %select_n3A_670 : vector<16xf32>
      %add3A_672 = arith.constant 20 : i32
      %add3A_673 = vector.broadcast %add3A_672 : i32 to vector<16xi32>
      %add3A_674 = arith.addi %add3A_673, %iota3A : vector<16xi32>
      tpu.vector_store_idx %arg9[%broadcast_in_dim3A_627, %add3A_674], %get3A_656 : memref<32x205xf32, #tpu.memory_space<vmem>>[vector<16xi32>, vector<16xi32>], vector<16xf32>,
      %add3A_675 = arith.constant 120 : i32
      %add3A_676 = vector.broadcast %add3A_675 : i32 to vector<16xi32>
      %add3A_677 = arith.addi %add3A_676, %iota3A : vector<16xi32>
      tpu.vector_store_idx %arg9[%broadcast_in_dim3A_627, %add3A_677], %div3A_662 : memref<32x205xf32, #tpu.memory_space<vmem>>[vector<16xi32>, vector<16xi32>], vector<16xf32>,
      %get3A_678 = arith.constant 32 : index
      %get3A_679 = tpu.vector_load %arg10[%get3A_678] {strides = array<i32>} : memref<128xf32, #tpu.memory_space<vmem>>, vector<16xf32>,
      %get3A_680 = arith.constant 32 : index
      %get3A_681 = tpu.vector_load %arg11[%get3A_680] {strides = array<i32>} : memref<128xf32, #tpu.memory_space<vmem>>, vector<16xf32>,
      %add3A_682 = arith.constant 9.99999971E-10 : f32
      %add3A_683 = vector.broadcast %add3A_682 : f32 to vector<16xf32>
      %add3A_684 = arith.addf %get3A_679, %add3A_683 : vector<16xf32>
      %div3A_685 = arith.divf %get3A_681, %add3A_684 : vector<16xf32>
      %gt3A_686 = arith.constant 0.000000e+00 : f32
      %gt3A_687 = vector.broadcast %gt3A_686 : f32 to vector<16xf32>
      %gt3A_688 = arith.cmpf ogt, %get3A_679, %gt3A_687 : vector<16xf32>
      %jit3A_689 = arith.constant 1.000000e+00 : f32
      %jit3A_690 = arith.constant 0.000000e+00 : f32
      %broadcast_in_dim3A_691 = vector.broadcast %jit3A_689 : f32 to vector<16xf32>
      %broadcast_in_dim3A_692 = vector.broadcast %jit3A_690 : f32 to vector<16xf32>
      %select_n3A_693 = arith.select %gt3A_688, %broadcast_in_dim3A_691, %broadcast_in_dim3A_692 : vector<16xi1>, vector<16xf32>
      %add3A_694 = arith.addf %add3A_671, %select_n3A_693 : vector<16xf32>
      %add3A_695 = arith.constant 36 : i32
      %add3A_696 = vector.broadcast %add3A_695 : i32 to vector<16xi32>
      %add3A_697 = arith.addi %add3A_696, %iota3A : vector<16xi32>
      tpu.vector_store_idx %arg9[%broadcast_in_dim3A_627, %add3A_697], %get3A_679 : memref<32x205xf32, #tpu.memory_space<vmem>>[vector<16xi32>, vector<16xi32>], vector<16xf32>,
      %add3A_698 = arith.constant 136 : i32
      %add3A_699 = vector.broadcast %add3A_698 : i32 to vector<16xi32>
      %add3A_700 = arith.addi %add3A_699, %iota3A : vector<16xi32>
      tpu.vector_store_idx %arg9[%broadcast_in_dim3A_627, %add3A_700], %div3A_685 : memref<32x205xf32, #tpu.memory_space<vmem>>[vector<16xi32>, vector<16xi32>], vector<16xf32>,
      %get3A_701 = arith.constant 48 : index
      %get3A_702 = tpu.vector_load %arg10[%get3A_701] {strides = array<i32>} : memref<128xf32, #tpu.memory_space<vmem>>, vector<16xf32>,
      %get3A_703 = arith.constant 48 : index
      %get3A_704 = tpu.vector_load %arg11[%get3A_703] {strides = array<i32>} : memref<128xf32, #tpu.memory_space<vmem>>, vector<16xf32>,
      %add3A_705 = arith.constant 9.99999971E-10 : f32
      %add3A_706 = vector.broadcast %add3A_705 : f32 to vector<16xf32>
      %add3A_707 = arith.addf %get3A_702, %add3A_706 : vector<16xf32>
      %div3A_708 = arith.divf %get3A_704, %add3A_707 : vector<16xf32>
      %gt3A_709 = arith.constant 0.000000e+00 : f32
      %gt3A_710 = vector.broadcast %gt3A_709 : f32 to vector<16xf32>
      %gt3A_711 = arith.cmpf ogt, %get3A_702, %gt3A_710 : vector<16xf32>
      %jit3A_712 = arith.constant 1.000000e+00 : f32
      %jit3A_713 = arith.constant 0.000000e+00 : f32
      %broadcast_in_dim3A_714 = vector.broadcast %jit3A_712 : f32 to vector<16xf32>
      %broadcast_in_dim3A_715 = vector.broadcast %jit3A_713 : f32 to vector<16xf32>
      %select_n3A_716 = arith.select %gt3A_711, %broadcast_in_dim3A_714, %broadcast_in_dim3A_715 : vector<16xi1>, vector<16xf32>
      %add3A_717 = arith.addf %add3A_694, %select_n3A_716 : vector<16xf32>
      %add3A_718 = arith.constant 52 : i32
      %add3A_719 = vector.broadcast %add3A_718 : i32 to vector<16xi32>
      %add3A_720 = arith.addi %add3A_719, %iota3A : vector<16xi32>
      tpu.vector_store_idx %arg9[%broadcast_in_dim3A_627, %add3A_720], %get3A_702 : memref<32x205xf32, #tpu.memory_space<vmem>>[vector<16xi32>, vector<16xi32>], vector<16xf32>,
      %add3A_721 = arith.constant 152 : i32
      %add3A_722 = vector.broadcast %add3A_721 : i32 to vector<16xi32>
      %add3A_723 = arith.addi %add3A_722, %iota3A : vector<16xi32>
      tpu.vector_store_idx %arg9[%broadcast_in_dim3A_627, %add3A_723], %div3A_708 : memref<32x205xf32, #tpu.memory_space<vmem>>[vector<16xi32>, vector<16xi32>], vector<16xf32>,
      %get3A_724 = arith.constant 64 : index
      %get3A_725 = tpu.vector_load %arg10[%get3A_724] {strides = array<i32>} : memref<128xf32, #tpu.memory_space<vmem>>, vector<16xf32>,
      %get3A_726 = arith.constant 64 : index
      %get3A_727 = tpu.vector_load %arg11[%get3A_726] {strides = array<i32>} : memref<128xf32, #tpu.memory_space<vmem>>, vector<16xf32>,
      %add3A_728 = arith.constant 9.99999971E-10 : f32
      %add3A_729 = vector.broadcast %add3A_728 : f32 to vector<16xf32>
      %add3A_730 = arith.addf %get3A_725, %add3A_729 : vector<16xf32>
      %div3A_731 = arith.divf %get3A_727, %add3A_730 : vector<16xf32>
      %gt3A_732 = arith.constant 0.000000e+00 : f32
      %gt3A_733 = vector.broadcast %gt3A_732 : f32 to vector<16xf32>
      %gt3A_734 = arith.cmpf ogt, %get3A_725, %gt3A_733 : vector<16xf32>
      %jit3A_735 = arith.constant 1.000000e+00 : f32
      %jit3A_736 = arith.constant 0.000000e+00 : f32
      %broadcast_in_dim3A_737 = vector.broadcast %jit3A_735 : f32 to vector<16xf32>
      %broadcast_in_dim3A_738 = vector.broadcast %jit3A_736 : f32 to vector<16xf32>
      %select_n3A_739 = arith.select %gt3A_734, %broadcast_in_dim3A_737, %broadcast_in_dim3A_738 : vector<16xi1>, vector<16xf32>
      %add3A_740 = arith.addf %add3A_717, %select_n3A_739 : vector<16xf32>
      %add3A_741 = arith.constant 68 : i32
      %add3A_742 = vector.broadcast %add3A_741 : i32 to vector<16xi32>
      %add3A_743 = arith.addi %add3A_742, %iota3A : vector<16xi32>
      tpu.vector_store_idx %arg9[%broadcast_in_dim3A_627, %add3A_743], %get3A_725 : memref<32x205xf32, #tpu.memory_space<vmem>>[vector<16xi32>, vector<16xi32>], vector<16xf32>,
      %add3A_744 = arith.constant 168 : i32
      %add3A_745 = vector.broadcast %add3A_744 : i32 to vector<16xi32>
      %add3A_746 = arith.addi %add3A_745, %iota3A : vector<16xi32>
      tpu.vector_store_idx %arg9[%broadcast_in_dim3A_627, %add3A_746], %div3A_731 : memref<32x205xf32, #tpu.memory_space<vmem>>[vector<16xi32>, vector<16xi32>], vector<16xf32>,
      %get3A_747 = arith.constant 80 : index
      %get3A_748 = tpu.vector_load %arg10[%get3A_747] {strides = array<i32>} : memref<128xf32, #tpu.memory_space<vmem>>, vector<16xf32>,
      %get3A_749 = arith.constant 80 : index
      %get3A_750 = tpu.vector_load %arg11[%get3A_749] {strides = array<i32>} : memref<128xf32, #tpu.memory_space<vmem>>, vector<16xf32>,
      %add3A_751 = arith.constant 9.99999971E-10 : f32
      %add3A_752 = vector.broadcast %add3A_751 : f32 to vector<16xf32>
      %add3A_753 = arith.addf %get3A_748, %add3A_752 : vector<16xf32>
      %div3A_754 = arith.divf %get3A_750, %add3A_753 : vector<16xf32>
      %gt3A_755 = arith.constant 0.000000e+00 : f32
      %gt3A_756 = vector.broadcast %gt3A_755 : f32 to vector<16xf32>
      %gt3A_757 = arith.cmpf ogt, %get3A_748, %gt3A_756 : vector<16xf32>
      %jit3A_758 = arith.constant 1.000000e+00 : f32
      %jit3A_759 = arith.constant 0.000000e+00 : f32
      %broadcast_in_dim3A_760 = vector.broadcast %jit3A_758 : f32 to vector<16xf32>
      %broadcast_in_dim3A_761 = vector.broadcast %jit3A_759 : f32 to vector<16xf32>
      %select_n3A_762 = arith.select %gt3A_757, %broadcast_in_dim3A_760, %broadcast_in_dim3A_761 : vector<16xi1>, vector<16xf32>
      %add3A_763 = arith.addf %add3A_740, %select_n3A_762 : vector<16xf32>
      %add3A_764 = arith.constant 84 : i32
      %add3A_765 = vector.broadcast %add3A_764 : i32 to vector<16xi32>
      %add3A_766 = arith.addi %add3A_765, %iota3A : vector<16xi32>
      tpu.vector_store_idx %arg9[%broadcast_in_dim3A_627, %add3A_766], %get3A_748 : memref<32x205xf32, #tpu.memory_space<vmem>>[vector<16xi32>, vector<16xi32>], vector<16xf32>,
      %add3A_767 = arith.constant 184 : i32
      %add3A_768 = vector.broadcast %add3A_767 : i32 to vector<16xi32>
      %add3A_769 = arith.addi %add3A_768, %iota3A : vector<16xi32>
      tpu.vector_store_idx %arg9[%broadcast_in_dim3A_627, %add3A_769], %div3A_754 : memref<32x205xf32, #tpu.memory_space<vmem>>[vector<16xi32>, vector<16xi32>], vector<16xf32>,
      %get3A_770 = arith.constant 96 : index
      %get3A_771 = tpu.vector_load %arg10[%get3A_770] {strides = array<i32>} : memref<128xf32, #tpu.memory_space<vmem>>, vector<16xf32>,
      %get3A_772 = arith.constant 96 : index
      %get3A_773 = tpu.vector_load %arg11[%get3A_772] {strides = array<i32>} : memref<128xf32, #tpu.memory_space<vmem>>, vector<16xf32>,
      %add3A_774 = arith.constant 9.99999971E-10 : f32
      %add3A_775 = vector.broadcast %add3A_774 : f32 to vector<16xf32>
      %add3A_776 = arith.addf %get3A_771, %add3A_775 : vector<16xf32>
      %div3A_777 = arith.divf %get3A_773, %add3A_776 : vector<16xf32>
      %gt3A_778 = arith.constant 0.000000e+00 : f32
      %gt3A_779 = vector.broadcast %gt3A_778 : f32 to vector<16xf32>
      %gt3A_780 = arith.cmpf ogt, %get3A_771, %gt3A_779 : vector<16xf32>
      %jit3A_781 = arith.constant 1.000000e+00 : f32
      %jit3A_782 = arith.constant 0.000000e+00 : f32
      %broadcast_in_dim3A_783 = vector.broadcast %jit3A_781 : f32 to vector<16xf32>
      %broadcast_in_dim3A_784 = vector.broadcast %jit3A_782 : f32 to vector<16xf32>
      %select_n3A_785 = arith.select %gt3A_780, %broadcast_in_dim3A_783, %broadcast_in_dim3A_784 : vector<16xi1>, vector<16xf32>
      %add3A_786 = arith.addf %add3A_763, %select_n3A_785 : vector<16xf32>
      %add3A_787 = arith.constant 100 : i32
      %add3A_788 = vector.broadcast %add3A_787 : i32 to vector<16xi32>
      %add3A_789 = arith.addi %add3A_788, %iota3A : vector<16xi32>
      %lt3A = arith.constant 4 : i32
      %lt3A_790 = vector.broadcast %lt3A : i32 to vector<16xi32>
      %lt3A_791 = arith.cmpi slt, %iota3A, %lt3A_790 : vector<16xi32>
      tpu.vector_store_idx %arg9[%broadcast_in_dim3A_627, %add3A_789], %get3A_771 masked %lt3A_791 : memref<32x205xf32, #tpu.memory_space<vmem>>[vector<16xi32>, vector<16xi32>], vector<16xf32>, vector<16xi1>
      %eq3A_792 = arith.constant 4 : i32
      %eq3A_793 = vector.broadcast %eq3A_792 : i32 to vector<16xi32>
      %eq3A_794 = arith.cmpi eq, %iota3A, %eq3A_793 : vector<16xi32>
      %reduce_sum3A_795 = arith.constant true
      %reduce_sum3A_796 = vector.broadcast %reduce_sum3A_795 : i1 to vector<16xi1>
      %reduce_sum3A_797 = tpu.scan <sum>, %add3A_786 masked %reduce_sum3A_796 : vector<16xf32>, vector<16xi1> -> vector<16xf32>
      %reduce_sum3A_798 = vector.extract %reduce_sum3A_797[15] : f32 from vector<16xf32>
      %broadcast_in_dim3A_799 = vector.broadcast %reduce_sum3A_798 : f32 to vector<16xf32>
      %select_n3A_800 = arith.select %eq3A_794, %broadcast_in_dim3A_799, %div3A_777 : vector<16xi1>, vector<16xf32>
      %add3A_801 = arith.constant 200 : i32
      %add3A_802 = vector.broadcast %add3A_801 : i32 to vector<16xi32>
      %add3A_803 = arith.addi %add3A_802, %iota3A : vector<16xi32>
      %lt3A_804 = arith.constant 5 : i32
      %lt3A_805 = vector.broadcast %lt3A_804 : i32 to vector<16xi32>
      %lt3A_806 = arith.cmpi slt, %iota3A, %lt3A_805 : vector<16xi32>
      tpu.vector_store_idx %arg9[%broadcast_in_dim3A_627, %add3A_803], %select_n3A_800 masked %lt3A_806 : memref<32x205xf32, #tpu.memory_space<vmem>>[vector<16xi32>, vector<16xi32>], vector<16xf32>, vector<16xi1>
      %eq3A_807 = arith.constant 3 : i32
      %eq3A_808 = vector.broadcast %eq3A_807 : i32 to vector<16xi32>
      %eq3A_809 = arith.cmpi eq, %iota3A, %eq3A_808 : vector<16xi32>
      %jit3A_810 = arith.constant 1.000000e+00 : f32
      %broadcast_in_dim3A_811 = vector.broadcast %jit3A_810 : f32 to vector<16xf32>
      %select_n3A_812 = arith.select %eq3A_809, %div3A_626, %broadcast_in_dim3A_811 : vector<16xi1>, vector<16xf32>
      %bitcast_convert_type3A = tpu.bitcast %select_n3A_812 : vector<16xf32> -> vector<16xi32>
      %shift_right_arithmetic3A = arith.constant 1 : i32
      %shift_right_arithmetic3A_813 = vector.broadcast %shift_right_arithmetic3A : i32 to vector<16xi32>
      %shift_right_arithmetic3A_814 = arith.shrsi %bitcast_convert_type3A, %shift_right_arithmetic3A_813 : vector<16xi32>
      %add3A_815 = arith.constant 532487669 : i32
      %add3A_816 = vector.broadcast %add3A_815 : i32 to vector<16xi32>
      %add3A_817 = arith.addi %shift_right_arithmetic3A_814, %add3A_816 : vector<16xi32>
      %bitcast_convert_type3A_818 = tpu.bitcast %add3A_817 : vector<16xi32> -> vector<16xf32>
      %div3A_819 = arith.divf %select_n3A_812, %bitcast_convert_type3A_818 : vector<16xf32>
      %add3A_820 = arith.addf %bitcast_convert_type3A_818, %div3A_819 : vector<16xf32>
      %mul3A_821 = arith.constant 5.000000e-01 : f32
      %mul3A_822 = vector.broadcast %mul3A_821 : f32 to vector<16xf32>
      %mul3A_823 = arith.mulf %mul3A_822, %add3A_820 : vector<16xf32>
      %div3A_824 = arith.divf %select_n3A_812, %mul3A_823 : vector<16xf32>
      %add3A_825 = arith.addf %mul3A_823, %div3A_824 : vector<16xf32>
      %mul3A_826 = arith.constant 5.000000e-01 : f32
      %mul3A_827 = vector.broadcast %mul3A_826 : f32 to vector<16xf32>
      %mul3A_828 = arith.mulf %mul3A_827, %add3A_825 : vector<16xf32>
      %div3A_829 = arith.divf %select_n3A_812, %mul3A_828 : vector<16xf32>
      %add3A_830 = arith.addf %mul3A_828, %div3A_829 : vector<16xf32>
      %mul3A_831 = arith.constant 5.000000e-01 : f32
      %mul3A_832 = vector.broadcast %mul3A_831 : f32 to vector<16xf32>
      %mul3A_833 = arith.mulf %mul3A_832, %add3A_830 : vector<16xf32>
      %eq3A_834 = arith.constant 0 : i32
      %eq3A_835 = vector.broadcast %eq3A_834 : i32 to vector<16xi32>
      %eq3A_836 = arith.cmpi eq, %iota3A, %eq3A_835 : vector<16xi32>
      %eq3A_837 = arith.constant 1 : i32
      %eq3A_838 = vector.broadcast %eq3A_837 : i32 to vector<16xi32>
      %eq3A_839 = arith.cmpi eq, %iota3A, %eq3A_838 : vector<16xi32>
      %eq3A_840 = arith.constant 2 : i32
      %eq3A_841 = vector.broadcast %eq3A_840 : i32 to vector<16xi32>
      %eq3A_842 = arith.cmpi eq, %iota3A, %eq3A_841 : vector<16xi32>
      %eq3A_843 = arith.constant 3 : i32
      %eq3A_844 = vector.broadcast %eq3A_843 : i32 to vector<16xi32>
      %eq3A_845 = arith.cmpi eq, %iota3A, %eq3A_844 : vector<16xi32>
      %jit3A_846 = arith.constant 0.000000e+00 : f32
      %broadcast_in_dim3A_847 = vector.broadcast %jit3A_846 : f32 to vector<16xf32>
      %select_n3A_848 = arith.select %eq3A_845, %mul3A_833, %broadcast_in_dim3A_847 : vector<16xi1>, vector<16xf32>
      %select_n3A_849 = arith.select %eq3A_842, %div3A, %select_n3A_848 : vector<16xi1>, vector<16xf32>
      %select_n3A_850 = arith.select %eq3A_839, %broadcast_in_dim3A_596, %select_n3A_849 : vector<16xi1>, vector<16xf32>
      %select_n3A_851 = arith.select %eq3A_836, %broadcast_in_dim3A_604, %select_n3A_850 : vector<16xi1>, vector<16xf32>
      %lt3A_852 = arith.constant 4 : i32
      %lt3A_853 = vector.broadcast %lt3A_852 : i32 to vector<16xi32>
      %lt3A_854 = arith.cmpi slt, %iota3A, %lt3A_853 : vector<16xi32>
      tpu.vector_store_idx %arg9[%broadcast_in_dim3A_627, %iota3A], %select_n3A_851 masked %lt3A_854 : memref<32x205xf32, #tpu.memory_space<vmem>>[vector<16xi32>, vector<16xi32>], vector<16xf32>, vector<16xi1>
      %scan3A_855 = arith.constant 0 : i32
      scf.yield %scan3A_855 : i32
    }
    %scan3A_112 = arith.constant 16 : i32
    %dma_wait3A_113 = arith.constant 0 : i32
    %dma_wait3A_114 = arith.constant 0 : i32
    %dma_wait3A_115 = tpu.memref_slice %arg9[%dma_wait3A_113, %dma_wait3A_114] : memref<32x205xf32, #tpu.memory_space<vmem>> -> memref<16x205xf32, #tpu.memory_space<vmem>>
    %dma_wait3A_116 = arith.constant 0 : i32
    %dma_wait3A_117 = tpu.memref_slice %arg5[%mul3A_2, %dma_wait3A_116] : memref<1024x205xf32, #tpu.memory_space<hbm>> -> memref<16x205xf32, #tpu.memory_space<hbm>>
    %dma_wait3A_118 = arith.constant 0 : i32
    %dma_wait3A_119 = tpu.memref_slice %arg5[%mul3A_2, %dma_wait3A_118] : memref<1024x205xf32, #tpu.memory_space<hbm>> -> memref<16x205xf32, #tpu.memory_space<hbm>>
    %dma_wait3A_120 = arith.constant 0 : i32
    %dma_wait3A_121 = arith.constant 0 : i32
    %dma_wait3A_122 = tpu.memref_slice %arg9[%dma_wait3A_120, %dma_wait3A_121] : memref<32x205xf32, #tpu.memory_space<vmem>> -> memref<16x205xf32, #tpu.memory_space<vmem>>
    tpu.wait_dma2 semaphore(%arg14 : memref<!tpu.dma_semaphore, #tpu.memory_space<semaphore_mem>>) src(%dma_wait3A_122 : memref<16x205xf32, #tpu.memory_space<vmem>>) dst(%dma_wait3A_119 : memref<16x205xf32, #tpu.memory_space<hbm>>)
    %add3A_123 = arith.constant 16 : i32
    %add3A_124 = arith.addi %mul3A_2, %add3A_123 : i32
    "tpu.region"() ({
      %run_scoped3A = tpu.sem_alloc : memref<!tpu.dma_semaphore, #tpu.memory_space<semaphore_mem>>
      %dma_start3A_125 = arith.constant 16 : i32
      %dma_start3A_126 = arith.constant 0 : i32
      %dma_start3A_127 = tpu.memref_slice %arg9[%dma_start3A_125, %dma_start3A_126] : memref<32x205xf32, #tpu.memory_space<vmem>> -> memref<16x205xf32, #tpu.memory_space<vmem>>
      %dma_start3A_128 = arith.constant 0 : i32
      %dma_start3A_129 = tpu.memref_slice %arg5[%add3A_124, %dma_start3A_128] : memref<1024x205xf32, #tpu.memory_space<hbm>> -> memref<16x205xf32, #tpu.memory_space<hbm>>
      %dma_start3A_130 = arith.constant 0 : i32
      %dma_start3A_131 = tpu.memref_slice %arg5[%add3A_124, %dma_start3A_130] : memref<1024x205xf32, #tpu.memory_space<hbm>> -> memref<16x205xf32, #tpu.memory_space<hbm>>
      %dma_start3A_132 = arith.constant 16 : i32
      %dma_start3A_133 = arith.constant 0 : i32
      %dma_start3A_134 = tpu.memref_slice %arg9[%dma_start3A_132, %dma_start3A_133] : memref<32x205xf32, #tpu.memory_space<vmem>> -> memref<16x205xf32, #tpu.memory_space<vmem>>
      tpu.enqueue_dma source(%dma_start3A_134 : memref<16x205xf32, #tpu.memory_space<vmem>>) target(%dma_start3A_131 : memref<16x205xf32, #tpu.memory_space<hbm>>) target_semaphore(%run_scoped3A : memref<!tpu.dma_semaphore, #tpu.memory_space<semaphore_mem>>)
      %dma_wait3A_135 = arith.constant 16 : i32
      %dma_wait3A_136 = arith.constant 0 : i32
      %dma_wait3A_137 = tpu.memref_slice %arg9[%dma_wait3A_135, %dma_wait3A_136] : memref<32x205xf32, #tpu.memory_space<vmem>> -> memref<16x205xf32, #tpu.memory_space<vmem>>
      %dma_wait3A_138 = arith.constant 0 : i32
      %dma_wait3A_139 = tpu.memref_slice %arg5[%add3A_124, %dma_wait3A_138] : memref<1024x205xf32, #tpu.memory_space<hbm>> -> memref<16x205xf32, #tpu.memory_space<hbm>>
      %dma_wait3A_140 = arith.constant 0 : i32
      %dma_wait3A_141 = tpu.memref_slice %arg5[%add3A_124, %dma_wait3A_140] : memref<1024x205xf32, #tpu.memory_space<hbm>> -> memref<16x205xf32, #tpu.memory_space<hbm>>
      %dma_wait3A_142 = arith.constant 16 : i32
      %dma_wait3A_143 = arith.constant 0 : i32
      %dma_wait3A_144 = tpu.memref_slice %arg9[%dma_wait3A_142, %dma_wait3A_143] : memref<32x205xf32, #tpu.memory_space<vmem>> -> memref<16x205xf32, #tpu.memory_space<vmem>>
      tpu.wait_dma2 semaphore(%run_scoped3A : memref<!tpu.dma_semaphore, #tpu.memory_space<semaphore_mem>>) src(%dma_wait3A_144 : memref<16x205xf32, #tpu.memory_space<vmem>>) dst(%dma_wait3A_141 : memref<16x205xf32, #tpu.memory_space<hbm>>)
      tpu.yield
    }) : () -> ()
    return
  }
}

</mosaic_0001>

<sc_bundles>
// kernel: _run.3.cloned.1.call-start
scs
__scs_entry_jumppad:
0x0: {  	(pc) =	sbr.rel $0x88, $3  }
0x1: {  	(tag) =	ssettag $0x0;
	lr =	simm.s32 $0x1  }
0x2: {  	[smem:$0x3F9E] =	sst lr;
	_ =	strace $0xD0000000  }
0x3: {  	_ = 	snop  }
0x4: {  	_ = 	snop  }
0x5: {  	_ = 	snop  }
0x6: {  	_ = 	snop  }
0x7: {  	_ = 	snop  }
__scs_overlays_trampoline_lowered:
0x8: {  	[smem:$0x3FAD] =	sst s0  }
0x9: {  	[smem:$0x3FAE] =	sst s1  }
0xa: {  	[smem:$0x3FAF] =	sst s2  }
0xb: {  	[smem:$0x3FB0] =	sst s3  }
0xc: {  	[smem:$0x3FB1] =	sst s4  }
0xd: {  	[smem:$0x3FB2] =	sst s5  }
0xe: {  	[smem:$0x3FB3] =	sst s6  }
0xf: {  	[smem:$0x3FB4] =	sst s7  }
0x10: {  	[smem:$0x3FB5] =	sst s8  }
0x11: {  	[smem:$0x3FB6] =	sst s9;
	s0 =	simm.s32 @!p0 $0x0  }
0x12: {  	s1 =	sld [smem:$0x3F9C];
	s0 =	simm.s32 @p0 $0x1  }
0x13: {  	[smem:$0x3FB7] =	sst s0;
	s0 =	simm.s32 @!p1 $0x0  }
0x14: {  	s2 =	sld [smem:$0x3F9B];
	s0 =	simm.s32 @p1 $0x1  }
0x15: {  	[smem:$0x3FB8] =	sst s0;
	s0 =	simm.s32 @!p2 $0x0  }
0x16: {  	s3 =	sld [smem:$0x3FDB];
	s0 =	simm.s32 @p2 $0x1  }
0x17: {  	s4 =	simm.s32 $0x1BF5;
	[smem:$0x3FBA] =	sst s0  }
0x18: {  	s0 =	sld [smem:$0x3F9D];
	_ =	swait.ge [sflag:s4], $0x0  }
0x19: {  	s7 =	sld [smem:$0x3F9E]  }
0x1a: {  	s8 =	sadd.s32 $0xFFFFE003, lr  }
0x1b: {  	s9 =	sadd.s32 $0xFFFFFEF7, lr;
	s5 =	simm.s32 $0xFFFFFFFF;
	p2 =	slt.u32 s8, $0xFFFFF086  }
0x1c: {  	p1 =	slt.u32 s9, $0xF7A;
	s5 =	simm.s32 @!p2 $0x0  }
0x1d: {  	s5 =	simm.s32 @p1 $0x1;
	p0 =	seq.s32 s7, s2  }
0x1e: {  	s7 =	smul.u32 @!p0 $0xF7A, s2;
	p2 =	seq.s32 @!p0 s5, $0x0  }
0x1f: {  	s9 =	smul.u32 $0xF7A, s1;
	s8 =	simm.s32 @!p0 $0x1BF5;
	p2 =	por !p2, p0  }
0x20: {  	[sflag:s8] =	ssyncset.s32 @!p0 $0xFFFFF086;
	s6 =	sadd.s32 @!p0 s3, s7;
	s7 =	simm.s32 @!p0 $0x108  }
0x21: {  	s3 =	sadd.s32 s3, s9;
	s6 =	sadd.s32 @!p0 $0x88, s6;
	s7 =	simm.s32 @p2 $0x1082  }
0x22: {  	[simem:s7], [sflag:s8] =	dma.local @!p0 [hbm:s6], $0xF7A  }
0x23: {  	s9 =	sor.u32 $0xD0000000, s2;
	s6 =	simm.s32 $0x108;
	_ =	swait.ge @!p0 [sflag:s8], $0x0  }
0x24: {  	s3 =	sadd.s32 $0x88, s3;
	s6 =	simm.s32 @!p1 $0x1082;
	[sflag:s4] =	ssyncset.s32 $0xFFFFF086  }
0x25: {  	[simem:s6], [sflag:s4] =	dma.local [hbm:s3], $0xF7A  }
0x26: {  	[smem:$0x3F9E] =	sst s1;
	(tag) =	ssettag s2;
	_ =	strace s9  }
0x27: {  	s1 =	sld [smem:$0x3FAE]  }
0x28: {  	s2 =	sld [smem:$0x3FAF]  }
0x29: {  	s4 =	sld [smem:$0x3FB1]  }
0x2a: {  	p0 =	seq.s32 s5, $0x0;
	s5 =	sld [smem:$0x3FB2]  }
0x2b: {  	s6 =	sld [smem:$0x3FB3]  }
0x2c: {  	s7 =	sld [smem:$0x3FB4]  }
0x2d: {  	s3 =	simm.s32 $0x108;
	s8 =	sld [smem:$0x3FB5]  }
0x2e: {  	s3 =	simm.s32 @!p0 $0x1082;
	s9 =	sld [smem:$0x3FB6]  }
0x2f: {  	lr =	sadd.s32 s0, s3;
	s0 =	sld [smem:$0x3FAD]  }
0x30: {  	s3 =	sld [smem:$0x3FB0]  }
0x31: {  	[smem:$0x3FB9] =	sst s10  }
0x32: {  	s10 =	sld [smem:$0x3FB7];
	_ =	sdelay $0x3  }
0x33: {  	p0 =	seq.s32 s10, $0x1;
	s10 =	sld [smem:$0x3FB9];
	_ =	sdelay $0x3  }
0x34: {  	[smem:$0x3FB9] =	sst s10  }
0x35: {  	s10 =	sld [smem:$0x3FB8];
	_ =	sdelay $0x3  }
0x36: {  	p1 =	seq.s32 s10, $0x1;
	s10 =	sld [smem:$0x3FB9];
	_ =	sdelay $0x3  }
0x37: {  	[smem:$0x3FB9] =	sst s10  }
0x38: {  	s10 =	sld [smem:$0x3FBA]  }
0x39: {  	_ = 	snop;
	(pc) =	sbr.ind lr, $3  }
0x3a: {  	_ = 	snop  }
0x3b: {  	_ = 	snop  }
0x3c: {  	p2 =	seq.s32 s10, $0x1;
	s10 =	sld [smem:$0x3FB9]  }
0x3d: {  	_ =	shalt  }
0x3e: {  	_ =	shalt  }
0x3f: {  	_ =	shalt  }
0x40: {  	_ =	shalt  }
0x41: {  	_ =	shalt  }
0x42: {  	_ =	shalt  }
0x43: {  	_ =	shalt  }
0x44: {  	_ =	shalt  }
0x45: {  	_ =	shalt  }
0x46: {  	_ =	shalt  }
0x47: {  	_ =	shalt  }
0x48: {  	_ =	shalt  }
0x49: {  	_ =	shalt  }
0x4a: {  	_ =	shalt  }
0x4b: {  	_ =	shalt  }
0x4c: {  	_ =	shalt  }
0x4d: {  	_ =	shalt  }
0x4e: {  	_ =	shalt  }
0x4f: {  	_ =	shalt  }
0x50: {  	_ =	shalt  }
0x51: {  	_ =	shalt  }
0x52: {  	_ =	shalt  }
0x53: {  	_ =	shalt  }
0x54: {  	_ =	shalt  }
0x55: {  	_ =	shalt  }
0x56: {  	_ =	shalt  }
0x57: {  	_ =	shalt  }
0x58: {  	_ =	shalt  }
0x59: {  	_ =	shalt  }
0x5a: {  	_ =	shalt  }
0x5b: {  	_ =	shalt  }
0x5c: {  	_ =	shalt  }
0x5d: {  	_ =	shalt  }
0x5e: {  	_ =	shalt  }
0x5f: {  	_ =	shalt  }
0x60: {  	_ =	shalt  }
0x61: {  	_ =	shalt  }
0x62: {  	_ =	shalt  }
0x63: {  	_ =	shalt  }
0x64: {  	_ =	shalt  }
0x65: {  	_ =	shalt  }
0x66: {  	_ =	shalt  }
0x67: {  	_ =	shalt  }
0x68: {  	_ =	shalt  }
0x69: {  	_ =	shalt  }
0x6a: {  	_ =	shalt  }
0x6b: {  	_ =	shalt  }
0x6c: {  	_ =	shalt  }
0x6d: {  	_ =	shalt  }
0x6e: {  	_ =	shalt  }
0x6f: {  	_ =	shalt  }
0x70: {  	_ =	shalt  }
0x71: {  	_ =	shalt  }
0x72: {  	_ =	shalt  }
0x73: {  	_ =	shalt  }
0x74: {  	_ =	shalt  }
0x75: {  	_ =	shalt  }
0x76: {  	_ =	shalt  }
0x77: {  	_ =	shalt  }
0x78: {  	_ =	shalt  }
0x79: {  	_ =	shalt  }
0x7a: {  	_ =	shalt  }
0x7b: {  	_ =	shalt  }
0x7c: {  	_ =	shalt  }
0x7d: {  	_ =	shalt  }
0x7e: {  	_ =	shalt  }
0x7f: {  	_ =	shalt  }
0x80: {  	_ =	shalt  }
0x81: {  	_ =	shalt  }
0x82: {  	_ =	shalt  }
0x83: {  	_ =	shalt  }
0x84: {  	_ =	shalt  }
0x85: {  	_ =	shalt  }
0x86: {  	_ =	shalt  }
0x87: {  	_ =	shalt  }
.Lfunc_end0:
.L_simem_size_0:
called_computation_lowered:
.L_overlay_start_0:
0x88: {  	s2 =	sld [smem:$0x3FD9]  }
0x89: {  	s3 =	sld [smem:$0x3FFE];
	_ =	sdelay $0x1  }
0x8a: {  	s1 =	srdreg.scid  }
0x8b: {  	s0 =	sand.u32 $0x1, s1  }
0x8c: {  	s17 =	sshll.u32 s0, $0xA;
	s2 =	sadd.s32 s3, s2  }
0x8d: {  	s2 =	sadd.s32 s2, s17  }
0x8e: {  	[smem:$0x3FC5] =	sst s2  }
0x8f: {  	_ = 	snop  }
0x90: {  	s2 =	sld [smem:$0x3FC7];
	(tm) =	ssettm $0x1  }
0x91: {  	s18 =	sld [smem:$0x3FFB];
	_ =	sdelay $0x3  }
0x92: {  	_ =	strace s18  }
0x93: {  	s3 =	sld [smem:$0x3FFC];
	_ =	sdelay $0x3  }
0x94: {  	_ =	strace s3  }
0x95: {  	s3 =	sld [smem:$0x3FFD];
	_ =	sdelay $0x3  }
0x96: {  	_ =	strace s3  }
0x97: {  	_ =	strace $0x8FFFFFFF  }
0x98: {  	s19 =	sld [smem:$0x3FDB];
	_ =	sdelay $0x1  }
0x99: {  	s4 =	simm.s32 $_scs_section_size  }
0x9a: {  	s5 =	simm.s32 $_size__tile_overlayer_lowered;
	s6 =	simm.s32 $_tile_overlayer_lowered  }
0x9b: {  	s22 =	simm.s32 $0x1BFF;
	s21 =	sshll.u32 s6, $0x1;
	s3 =	sadd.s32 s4, s19  }
0x9c: {  	s7 =	simm.s32 $0x0;
	s20 =	sshll.u32 s5, $0x1;
	s5 =	sadd.s32 s21, s3  }
0x9d: {  	[timem:s7], [sflag:s22] =	dma.local [hbm:s5], s20  }
0x9e: {  	_ =	swait.ge [sflag:s22], s20  }
0x9f: {  	s4 =	ssub.s32 $0x0, s20;
	[sflag:s22] =	ssyncset.done $0x0  }
0xa0: {  	[sflag:s22] =	ssyncadd.s32 s4;
	_ =	sdelay $0x1  }
0xa1: {  	s23 =	simm.s32 $0x1B8B  }
0xa2: {  	_ =	swait.ge [sflag:s23], $0x1  }
0xa3: {  	[sflag:s23] =	ssyncset.done $0x0  }
0xa4: {  	s25 =	simm.s32 $0x1B8E;
	s24 =	sld [smem:$0x3FFE];
	[sflag:s23] =	ssyncadd.s32 $0xFFFFFFFF  }
0xa5: {  	s26 =	simm.s32 $execute0_lowered;
	[smem:$0x3FD2] =	sst s25  }
0xa6: {  	s5 =	sshll.u32 s26, $0x1;
	_ =	strace $0x80000046;
	[dreg:$0x1] =	wrdreg $0xFFFFFFFF  }
0xa7: {  	s28 =	simm.s32 $_size_execute0_lowered;
	s3 =	sadd.s32 s3, s5;
	[dreg:$0x0] =	wrdreg $0x0  }
0xa8: {  	s5 =	sshll.u32 s28, $0x1;
	[dreg:$0x2] =	wrdreg s3  }
0xa9: {  	[dreg:$0x3] =	wrdreg s5  }
0xaa: {  	[dreg:$0x4] =	wrdreg $0xC0  }
0xab: {  	_ =	task [dreg:s7], $0x5FFFF  }
0xac: {  	[dreg:$0x1] =	wrdreg $0xFFFFFFFF  }
0xad: {  	[dreg:$0x0] =	wrdreg $0x60  }
0xae: {  	[dreg:$0x2] =	wrdreg s24  }
0xaf: {  	[dreg:$0x3] =	wrdreg s2  }
0xb0: {  	[dreg:$0x4] =	wrdreg $0x9  }
0xb1: {  	_ =	task.clear_ibuf [dreg:s7], $0x5FFFF;
	_ =	strace $0x90000046  }
0xb2: {  	s29 =	simm.s32 $0x9;
	_ =	strace $0x80000048  }
0xb3: {  	_ =	swait.ge [sflag:s29], $0x1  }
0xb4: {  	[sflag:s29] =	ssyncadd.s32 $0xFFFFFFFF  }
0xb5: {  	_ =	strace $0x90000048  }
0xb6: {  	_ =	sfence  }
0xb7: {  	s30 =	sld [smem:$0x0];
	_ =	sdelay $0x2  }
0xb8: {  	s31 =	sshll.u32 s1, $0xD;
	s1 =	sshrl.u32 s1, $0x2  }
0xb9: {  	s3 =	sand.u32 $0x4000, s31;
	s1 =	sadd.s32 s1, s30  }
0xba: {  	s0 =	sor.u32 s3, s0;
	s1 =	sshll.u32 s1, $0x11  }
0xbb: {  	s0 =	sor.u32 s1, s0  }
0xbc: {  	s0 =	sadd.s32 $0x8F2B, s0  }
0xbd: {  	[sflag:s0] =	ssyncadd.remote.s32 $0x1  }
0xbe: {  	_ =	sfence.sel $0xFFFF  }
0xbf: {  	[dreg:$0x0] =	wrdreg $0xFFFFFFFF;
	(pc) =	sbr.abs _section_cstart, $3  }
0xc0: {  	[dreg:$0x1] =	wrdreg $0xFFFFFFFF  }
0xc1: {  	_ =	task.clear_ibuf [dreg:s7], $0x2FFFF;
	_ =	strace $0x9FFFFFFF  }
0xc2: {  	(tm) =	ssettm $0x7FFFFFFF  }
0xc3: {  	_ =	shalt  }
tec
execute0_lowered:
.L_overlay_start_1:
0x0: {  	(tag) =	ssettag $0x1  }
0x1: {  	v0 =	vimm.s32 $0x7B7A7978  }
0x2: {  	v1 =	vimm.s32 $0x7F7E7D7C;
	s3 =	rddreg [dreg:$0x0];
	v0 =	vunpack.c.0.s8.s32 v0  }
0x3: {  	vm0 =	vcmask $0xF00;
	s7 =	rddreg [dreg:$0x1];
	vm1 =	vcmask $0x2F2C;
	v1 =	vunpack.c.0.s8.s32 v1  }
0x4: {  	s0 =	rddreg [dreg:$0x2];
	s1 =	simm.s32 $0x0;
	s4 =	srdreg.scid;
	vm2 =	vcmask $0xB10;
	v0 =	vnsel vm0, $0x407, v0;
	vm0 =	vcmask $0x1F10  }
0x5: {  	s2 =	stileid.u32;
	s14 =	simm.s32 $0x4;
	s15 =	simm.s32 $0x1;
	vm3 =	vcmask $0x3F10;
	v1 =	vsel vm0, v1, v0;
	vm0 =	vcmask $0x2320  }
0x6: {  	s16 =	simm.s32 $0x6080;
	s17 =	simm.s32 $0x6100;
	s18 =	simm.s32 $0x4080;
	vm4 =	vcmask $0x3F0C;
	v2 =	vsel vm0, $0x400, v1;
	vm0 =	vcmask $0x2724  }
0x7: {  	s19 =	simm.s32 $0x2;
	vm5 =	vcmask $0x3F08;
	s20 =	simm.s32 $0x3;
	s21 =	simm.s32 $0x5080;
	v3 =	vsel vm0, $0x401, v2;
	vm0 =	vcmask $0x2B28  }
0x8: {  	s22 =	simm.s32 $0x0;
	[smem:$0x7FF] =	sst s1;
	s4 =	sand.u32 $0x1, s4;
	v0 =	vimm.f32 $0.0e+00;
	v1 =	vimm.f32 $1.000000000e+00;
	v3 =	vsel vm0, $0x402, v3  }
0x9: {  	s5 =	sshll.u32 s2, $0x6;
	s8 =	sadd.s32 $0x600, s3;
	s30 =	sadd.s32 $0x8600, s3;
	v2 =	vand.u32 $0x7FFFFFFF, v1;
	v4 =	vsel vm1, $0x403, v3;
	vm1 =	vcmask $0x3330  }
0xa: {  	s11 =	sadd.s32 $0x10600, s3;
	s6 =	sshll.u32 s4, $0x5;
	s4 =	ssub.s32 $0x2, s4;
	vm0 =	vmmov $0xff;
	v3 =	vlaneseq.u32;
	v5 =	vsel vm1, $0x404, v4  }
0xb: {  	_ =	strace $0x80000047;
	s5 =	sor.u32 s6, s5;
	s9 =	sshrl.u32 s4, $0x1;
	vm1 =	vcmask $0x3734;
	v4 =	vadd.s32 $0x4, v3;
	v6 =	vadd.s32 $0x14, v3  }
0xc: {  	s10 =	sshll.u32 s5, $0x5;
	s12 =	ssub.s32 s4, s9;
	s13 =	sshrl.u32 s5, $0x3;
	v8 =	vadd.s32 $0x24, v3;
	v9 =	vadd.s32 $0x408, v3;
	v10 =	vadd.s32 $0x34, v3  }
0xd: {  	s3 =	sadd.s32 s8, s10;
	s4 =	sadd.s32 s30, s10;
	s31 =	sor.u32 $0x200, s10;
	v11 =	vadd.s32 $0x418, v3;
	v12 =	vadd.s32 $0x44, v3;
	v13 =	vadd.s32 $0x428, v3  }
0xe: {  	s7 =	sadd.s32 s7, s13;
	s13 =	simm.s32 $0x3000;
	s5 =	sadd.s32 s8, s31;
	v14 =	vadd.s32 $0x54, v3;
	v15 =	vadd.s32 $0x438, v3;
	v16 =	vadd.s32 $0x64, v3  }
0xf: {  	s6 =	sadd.s32 s30, s31;
	s8 =	sadd.s32 s11, s10;
	s9 =	sadd.s32 s11, s31;
	v17 =	vadd.s32 $0x448, v3;
	v7 =	vsel vm1, $0x405, v5;
	vm1 =	vcmask $0x3B38  }
0x10: {  	s10 =	smax.u32 s12, $0x1;
	s11 =	simm.s32 $0x2000;
	s12 =	simm.s32 $0x1000;
	v5 =	vadd.s32 $0x68, v3;
	v7 =	vsel vm1, $0x406, v7;
	vm1 =	vcmask $0x1310  }
.LBB2_1:
0x11: {  	[tilespmem:s1], [sflag:$0x1] =	stream.linear.gather [hbm4b:s3+s1], $0x1000, $0x38;
	[tilespmem:$0x6180] =	vst v63  }
0x12: {  	_ = 	snop  }
0x13: {  	[tilespmem:s11], [sflag:$0x1] =	stream.linear.gather [hbm4b:s4+s1], $0x1000, $0x38;
	[tilespmem:$0x6180] =	vst v63  }
0x14: {  	_ = 	snop  }
0x15: {  	[tilespmem:s12], [sflag:$0x2] =	stream.linear.gather [hbm4b:s5+s1], $0x1000, $0x38;
	[tilespmem:$0x6180] =	vst v63  }
0x16: {  	_ = 	snop  }
0x17: {  	[tilespmem:s13], [sflag:$0x2] =	stream.linear.gather [hbm4b:s6+s1], $0x1000, $0x38;
	[tilespmem:$0x6180] =	vst v63  }
0x18: {  	s23 =	simm.s32 $0x4000  }
0x19: {  	[tilespmem:s23], [sflag:$0x4] =	stream.linear.gather [hbm4b:s7+s1], $0x20, $0x38;
	[tilespmem:$0x6180] =	vst v63  }
0x1a: {  	_ =	swait.ge [sflag:s14], $0x20  }
0x1b: {  	[sflag:s14] =	ssyncset.done $0x0  }
0x1c: {  	[sflag:s14] =	ssyncadd.s32 $0xFFFFFFE0  }
0x1d: {  	_ =	swait.ge [sflag:s15], $0x1000  }
0x1e: {  	[sflag:s15] =	ssyncset.done $0x0  }
0x1f: {  	[sflag:s15] =	ssyncadd.s32 $0xFFFFF000  }
0x20: {  	_ =	swait.ge [sflag:s15], $0x1000  }
0x21: {  	s24 =	simm.s32 $0x0;
	[sflag:s15] =	ssyncset.done $0x0  }
0x22: {  	s25 =	simm.s32 $0x0;
	s26 =	simm.s32 $0x0;
	[sflag:s15] =	ssyncadd.s32 $0xFFFFF000  }
.LBB2_2:
0x23: {  	[tilespmem:$0x6080] =	vst v0  }
0x24: {  	[tilespmem:$0x6100] =	vst v0  }
0x25: {  	[tilespmem:$0x6090] =	vst v0  }
0x26: {  	[tilespmem:$0x6110] =	vst v0  }
0x27: {  	[tilespmem:$0x60A0] =	vst v0  }
0x28: {  	[tilespmem:$0x6120] =	vst v0  }
0x29: {  	[tilespmem:$0x60B0] =	vst v0  }
0x2a: {  	[tilespmem:$0x6130] =	vst v0  }
0x2b: {  	[tilespmem:$0x60C0] =	vst v0  }
0x2c: {  	[tilespmem:$0x6140] =	vst v0  }
0x2d: {  	[tilespmem:$0x60D0] =	vst v0  }
0x2e: {  	[tilespmem:$0x6150] =	vst v0  }
0x2f: {  	[tilespmem:$0x60E0] =	vst v0;
	s28 =	sand.u32 $0x800, s24;
	s29 =	sand.u32 $0x380, s25  }
0x30: {  	[tilespmem:$0x6160] =	vst v0;
	s28 =	sor.u32 s29, s28  }
0x31: {  	v18 =	vld [tilespmem:s28+$0x0];
	_ =	sdelay $0x2  }
0x32: {  	v20 =	vld [tilespmem:s28+$0x10]  }
0x33: {  	v21 =	vld [tilespmem:s28+$0x20]  }
0x34: {  	v22 =	vld [tilespmem:s28+$0x30];
	v19 =	vand.u32 $0x7FFFFFFF, v18  }
0x35: {  	v27 =	vld [tilespmem:s28+$0x40];
	v19 =	vmul.f32 $1.442695020e+00, v19  }
0x36: {  	v43 =	vld [tilespmem:s28+$0x50]  }
0x37: {  	v30 =	vld [tilespmem:s28+$0x60];
	(erf) = vpow2.f32 v19  }
0x38: {  	v23 =	vand.u32 $0x80000000, v18;
	vm6 =	vlt.f32 v18, $0.0e+00;
	v19 =	vand.u32 $0x7FFFFFFF, v20  }
0x39: {  	vm7 =	vgt.f32 v18, $0.0e+00;
	v24 =	vand.u32 $0x7FFFFFFF, v21;
	v19 =	vmul.f32 $1.442695020e+00, v19  }
0x3a: {  	v26 =	vand.u32 $0x7FFFFFFF, v22;
	v41 =	vand.u32 $0x7FFFFFFF, v27;
	v44 =	vand.u32 $0x80000000, v21  }
0x3b: {  	v47 =	vand.u32 $0x80000000, v22;
	v32 =	vand.u32 $0x7FFFFFFF, v43;
	(erf) = vpow2.f32 v19;
	v19 =	vld [tilespmem:s28+$0x2000]  }
0x3c: {  	v51 =	vand.u32 $0x80000000, v27;
	v52 =	vand.u32 $0x7FFFFFFF, v30;
	v57 =	vand.u32 $0x80000000, v43  }
0x3d: {  	v23 =	vor.u32 v23, v2;
	vm6 =	vmor vm7, vm6;
	v24 =	vmul.f32 $1.442695020e+00, v24  }
0x3e: {  	v36 =	vld [tilespmem:s28+$0x2010];
	v37 =	vmul.f32 $1.442695020e+00, v26;
	vm7 =	vgt.f32 v20, $0.0e+00;
	v42 =	vmul.f32 $1.442695020e+00, v41  }
0x3f: {  	v32 =	vmul.f32 $1.442695020e+00, v32;
	v53 =	vor.u32 v51, v2;
	v58 =	vor.u32 v57, v2  }
0x40: {  	v18 =	vsel vm6, v23, v18;
	vm6 =	vgt.s32 v19, $0x0;
	v25 =	vpop (erf);
	(erf) = vpow2.f32 v24  }
0x41: {  	v19 =	vnsel vm6, $0x0, v19;
	vm6 =	vlt.f32 v20, $0.0e+00;
	v35 =	vadd.f32 $-1.000000000e+00, v25  }
0x42: {  	v26 =	vmin.u32 v19, $0x63;
	v19 =	vand.u32 $0x80000000, v20;
	(erf) = vpow2.f32 v37  }
0x43: {  	v39 =	vld [tilespmem:s28+$0x2020];
	vm6 =	vmor vm7, vm6;
	vm7 =	vgt.s32 v36, $0x0;
	v25 =	vor.u32 v44, v2  }
0x44: {  	v29 =	vld [tilespmem:s28+$0x2030];
	v37 =	vand.u32 $0x80000000, v30;
	v19 =	vor.u32 v19, v2;
	v40 =	vnsel vm7, $0x0, v36  }
0x45: {  	v44 =	vld [tilespmem:s28+$0x430];
	vm7 =	vgt.f32 v21, $0.0e+00;
	v37 =	vor.u32 v37, v2;
	v18 =	vmul.f32 v35, v18  }
0x46: {  	v36 =	vld [tilespmem:s28+$0x410];
	v38 =	vpop (erf);
	v19 =	vsel vm6, v19, v20;
	v28 =	vmin.u32 v40, $0x63;
	vm6 =	vlt.f32 v21, $0.0e+00  }
0x47: {  	(erf) = vpow2.f32 v42;
	v35 =	vld [tilespmem:s28+$0x400];
	v23 =	vadd.f32 $-1.000000000e+00, v38;
	vm6 =	vmor vm7, vm6  }
0x48: {  	v40 =	vld [tilespmem:s28+$0x420];
	vm7 =	vgt.f32 v22, $0.0e+00;
	v45 =	vsel vm6, v25, v21;
	vm6 =	vgt.s32 v39, $0x0  }
0x49: {  	v25 =	vor.u32 v47, v2;
	v24 =	vnsel vm6, $0x0, v39;
	vm6 =	vlt.f32 v22, $0.0e+00  }
0x4a: {  	v19 =	vmul.f32 v23, v19;
	v57 =	vand.u32 $0x7FFFFFFF, v44;
	vm6 =	vmor vm7, vm6  }
0x4b: {  	v49 =	vld [tilespmem:s28+$0x2040];
	v33 =	vmin.u32 v24, $0x63;
	vm7 =	vgt.f32 v27, $0.0e+00;
	v39 =	vand.u32 $0x7FFFFFFF, v36  }
0x4c: {  	v48 =	vsel vm6, v25, v22;
	vm6 =	vgt.s32 v29, $0x0;
	v61 =	vand.u32 $0x7FFFFFFF, v35  }
0x4d: {  	v39 =	vmul.f32 $1.442695020e+00, v39;
	v51 =	vand.u32 $0x7FFFFFFF, v40;
	v46 =	vpop (erf);
	(erf) = vpow2.f32 v32  }
0x4e: {  	v25 =	vld [tilespmem:s28+$0x70];
	v50 =	vnsel vm6, $0x0, v29;
	vm6 =	vlt.f32 v27, $0.0e+00;
	v21 =	vadd.f32 $-1.000000000e+00, v46  }
0x4f: {  	v31 =	vpop (erf);
	v32 =	vmin.u32 v50, $0x63;
	vm6 =	vmor vm7, vm6;
	vm7 =	vgt.f32 v43, $0.0e+00  }
0x50: {  	v31 =	vadd.f32 $-1.000000000e+00, v31;
	v22 =	vsel vm6, v53, v27;
	vm6 =	vgt.s32 v49, $0x0  }
0x51: {  	v34 =	vld [tilespmem:s28+$0x2050];
	v20 =	vmul.f32 v21, v45;
	v24 =	vnsel vm6, $0x0, v49;
	vm6 =	vlt.f32 v43, $0.0e+00  }
0x52: {  	v54 =	vpop (erf);
	v45 =	vand.u32 $0x80000000, v35;
	v21 =	vmul.f32 v31, v48;
	v31 =	vmul.f32 $1.442695020e+00, v52  }
0x53: {  	v50 =	vld [tilespmem:s28+$0x2430];
	v29 =	vadd.f32 $-1.000000000e+00, v54;
	v55 =	vand.u32 $0x7FFFFFFF, v25;
	v27 =	vmin.u32 v24, $0x63  }
0x54: {  	vm6 =	vmor vm7, vm6;
	vm7 =	vgt.f32 v30, $0.0e+00;
	v56 =	vmul.f32 $1.442695020e+00, v55  }
0x55: {  	v59 =	vld [tilespmem:s28+$0x2060];
	v41 =	vand.u32 $0x80000000, v25;
	v45 =	vor.u32 v45, v2;
	(erf) = vpow2.f32 v31  }
0x56: {  	v23 =	vsel vm6, v58, v43;
	vm6 =	vgt.s32 v34, $0x0;
	(erf) = vpow2.f32 v56  }
0x57: {  	v41 =	vor.u32 v41, v2;
	v22 =	vmul.f32 v29, v22;
	v34 =	vnsel vm6, $0x0, v34  }
0x58: {  	v38 =	vld [tilespmem:s28+$0x2070];
	v31 =	vmul.f32 $1.442695020e+00, v61;
	vm6 =	vlt.f32 v30, $0.0e+00;
	vm8 =	vgt.s32 v50, $0x0  }
0x59: {  	v62 =	vld [tilespmem:s28+$0x2400];
	vm6 =	vmor vm7, vm6;
	v34 =	vmin.u32 v34, $0x63;
	vm7 =	vgt.f32 v25, $0.0e+00  }
0x5a: {  	v42 =	vld [tilespmem:s28+$0x2420];
	v56 =	vand.u32 $0x80000000, v36;
	v63 =	vsel vm6, v37, v30;
	vm6 =	vgt.s32 v59, $0x0  }
0x5b: {  	v49 =	vld [tilespmem:s28+$0x2410];
	v60 =	vpop (erf);
	(erf) = vpow2.f32 v31;
	v29 =	vnsel vm6, $0x0, v59;
	vm6 =	vlt.f32 v25, $0.0e+00  }
0x5c: {  	v52 =	vld [tilespmem:s28+$0x2438];
	v31 =	vmul.f32 $1.442695020e+00, v57;
	v24 =	vadd.f32 $-1.000000000e+00, v60;
	vm6 =	vmor vm7, vm6  }
0x5d: {  	v29 =	vmin.u32 v29, $0x63;
	v25 =	vsel vm6, v41, v25;
	v41 =	vld [tilespmem:s28+$0x438];
	vm6 =	vgt.s32 v38, $0x0  }
0x5e: {  	vm7 =	vgt.f32 v35, $0.0e+00;
	[tilespmem:v26+s16+$0x0] =	vst.idx.add.f32.msk $0xffff, v1;
	v38 =	vnsel vm6, $0x0, v38;
	vm6 =	vlt.f32 v35, $0.0e+00;
	v48 =	vpop (erf)  }
0x5f: {  	v23 =	vmul.f32 v24, v23;
	[tilespmem:v26+s17+$0x0] =	vst.idx.add.f32.msk $0xffff, v18;
	vm6 =	vmor vm7, vm6;
	v43 =	vpop (erf);
	(erf) = vpow2.f32 v39  }
0x60: {  	[tilespmem:v28+s16+$0x0] =	vst.idx.add.f32.msk $0xffff, v1;
	v54 =	vsel vm6, v45, v35;
	vm6 =	vgt.s32 v62, $0x0;
	v30 =	vadd.f32 $-1.000000000e+00, v48  }
0x61: {  	v38 =	vmin.u32 v38, $0x63;
	vm7 =	vgt.f32 v36, $0.0e+00;
	[tilespmem:v28+s17+$0x0] =	vst.idx.add.f32.msk $0xffff, v19;
	v55 =	vnsel vm6, $0x0, v62  }
0x62: {  	[tilespmem:v33+s16+$0x0] =	vst.idx.add.f32.msk $0xffff, v1;
	vm6 =	vlt.f32 v36, $0.0e+00;
	v24 =	vmul.f32 v30, v63;
	v30 =	vmul.f32 $1.442695020e+00, v51  }
0x63: {  	v35 =	vand.u32 $0x80000000, v40;
	[tilespmem:v33+s17+$0x0] =	vst.idx.add.f32.msk $0xffff, v20;
	vm6 =	vmor vm7, vm6;
	v59 =	vand.u32 $0x7FFFFFFF, v41  }
0x64: {  	v61 =	vmin.u32 v55, $0x63;
	v43 =	vadd.f32 $-1.000000000e+00, v43;
	[tilespmem:v32+s16+$0x0] =	vst.idx.add.f32.msk $0xffff, v1;
	v46 =	vpop (erf);
	(erf) = vpow2.f32 v30  }
0x65: {  	vm7 =	vgt.f32 v40, $0.0e+00;
	v60 =	vmul.f32 $1.442695020e+00, v59;
	[tilespmem:v32+s17+$0x0] =	vst.idx.add.f32.msk $0xffff, v21;
	(erf) = vpow2.f32 v31  }
0x66: {  	v25 =	vmul.f32 v43, v25;
	v53 =	vadd.f32 $-1.000000000e+00, v46;
	[tilespmem:v27+s16+$0x0] =	vst.idx.add.f32.msk $0xffff, v1;
	v30 =	vor.u32 v56, v2  }
0x67: {  	v46 =	vnsel vm8, $0x0, v50;
	[tilespmem:v27+s17+$0x0] =	vst.idx.add.f32.msk $0xffff, v22;
	v30 =	vsel vm6, v30, v36;
	vm6 =	vgt.s32 v49, $0x0  }
0x68: {  	[tilespmem:v34+s16+$0x0] =	vst.idx.add.f32.msk $0xffff, v1;
	v62 =	vnsel vm6, $0x0, v49;
	vm6 =	vlt.f32 v40, $0.0e+00;
	v58 =	vpop (erf);
	(erf) = vpow2.f32 v60  }
0x69: {  	v50 =	vand.u32 $0x80000000, v41;
	[tilespmem:v34+s17+$0x0] =	vst.idx.add.f32.msk $0xffff, v23;
	vm6 =	vmor vm7, vm6;
	vm7 =	vgt.s32 v42, $0x0  }
0x6a: {  	v26 =	vmul.f32 v53, v54;
	[tilespmem:v29+s16+$0x0] =	vst.idx.add.f32.msk $0xffff, v1;
	v37 =	vnsel vm7, $0x0, v42;
	v33 =	vadd.f32 $-1.000000000e+00, v58  }
0x6b: {  	v63 =	vmin.u32 v62, $0x63;
	[tilespmem:v29+s17+$0x0] =	vst.idx.add.f32.msk $0xffff, v24;
	vm7 =	vgt.f32 v44, $0.0e+00;
	v42 =	vmin.u32 v37, $0x63  }
0x6c: {  	[tilespmem:v38+s16+$0x0] =	vst.idx.add.f32.msk $0xffff, v1;
	v28 =	vmul.f32 v33, v30;
	v30 =	vor.u32 v35, v2;
	v33 =	vmin.u32 v46, $0x63  }
0x6d: {  	[tilespmem:v38+s17+$0x0] =	vst.idx.add.f32.msk $0xffff, v25;
	v36 =	vpop (erf);
	v30 =	vsel vm6, v30, v40;
	v40 =	vand.u32 $0x80000000, v44;
	vm6 =	vlt.f32 v44, $0.0e+00  }
0x6e: {  	[tilespmem:v61+s16+$0x0] =	vst.idx.add.f32.msk $0xffff, v1;
	v31 =	vadd.f32 $-1.000000000e+00, v36;
	vm6 =	vmor vm7, vm6;
	vm7 =	vgt.s32 v52, $0x0;
	v47 =	vpop (erf)  }
0x6f: {  	[tilespmem:v61+s17+$0x0] =	vst.idx.add.f32.msk $0xffff, v26;
	v45 =	vor.u32 v40, v2;
	v48 =	vnsel vm7, $0x0, v52;
	v49 =	vadd.f32 $-1.000000000e+00, v47  }
0x70: {  	[tilespmem:v63+s16+$0x0] =	vst.idx.add.f32.msk $0xffff, v1;
	vm7 =	vgt.f32 v41, $0.0e+00;
	v30 =	vmul.f32 v31, v30;
	v35 =	vmin.u32 v48, $0x63  }
0x71: {  	[tilespmem:v63+s17+$0x0] =	vst.idx.add.f32.msk $0xffff, v28;
	v31 =	vsel vm6, v45, v44;
	vm6 =	vlt.f32 v41, $0.0e+00;
	v52 =	vsel vm0, $0x0, v35;
	v51 =	vpop (erf)  }
0x72: {  	v53 =	vor.u32 v50, v2;
	[tilespmem:v42+s16+$0x0] =	vst.idx.add.f32.msk $0xffff, v1;
	vm6 =	vmor vm7, vm6;
	v54 =	vadd.f32 $-1.000000000e+00, v51  }
0x73: {  	v32 =	vmul.f32 v49, v31;
	v27 =	vsel vm6, v53, v41;
	[tilespmem:v42+s17+$0x0] =	vst.idx.add.f32.msk $0xffff, v30  }
0x74: {  	[tilespmem:v33+s16+$0x0] =	vst.idx.add.f32.msk $0xffff, v1;
	v27 =	vmul.f32 v54, v27  }
0x75: {  	[tilespmem:v33+s17+$0x0] =	vst.idx.add.f32.msk $0xffff, v32  }
0x76: {  	[tilespmem:v52+s16+$0x0] =	vst.idx.add.f32.msk $0xffff, v1;
	v33 =	vsel vm0, $0x0, v27  }
0x77: {  	[tilespmem:v35+s17+$0x0] =	vst.idx.add.f32.msk $0xffff, v33  }
0x78: {  	v55 =	vld [tilespmem:s23+$0x0];
	_ =	sdelay $0x4  }
0x79: {  	(v2sf) =	vpush v55, $0x0;
	_ =	sdelay $0xe  }
0x7a: {  	s31 =	spop (v2sf)  }
0x7b: {  	s28 =	scvt.s32.f32 s31  }
0x7c: {  	v56 =	vld [tilespmem:$0x6080]  }
0x7d: {  	v57 =	vmov s28  }
0x7e: {  	v58 =	vadd.f32 $-1.000000000e+00, v57;
	_ =	sdelay $0x1  }
0x7f: {  	vm6 =	veq.s32 v3, $0x0;
	v29 =	vadd.f32 $9.999999710e-10, v57;
	v31 =	vmax.f32 v58, $0.0e+00  }
0x80: {  	v59 =	vadd.f32 $9.999999710e-10, v31;
	v31 =	vsel vm6, $0x0, v56  }
0x81: {  	(erf) = vrcp.f32 v29;
	v27 =	vadd.f32 $9.999999710e-10, v31  }
0x82: {  	(erf) = vrcp.f32 v59  }
0x83: {  	(erf) = vrcp.f32 v27;
	_ =	sdelay $0x1  }
0x84: {  	v60 =	vmov s26  }
0x85: {  	v61 =	vshll.u32 v60, $0x8;
	v27 =	vshll.u32 v60, $0x7  }
0x86: {  	v29 =	vand.u32 $0x800, v61;
	v27 =	vand.u32 $0x380, v27  }
0x87: {  	v62 =	vld [tilespmem:$0x6100];
	v27 =	vor.u32 v27, v29  }
0x88: {  	v63 =	vor.u32 v4, v27  }
0x89: {  	v40 =	vor.u32 v5, v27;
	v29 =	vpop (erf)  }
0x8a: {  	v37 =	vpop (erf)  }
0x8b: {  	v41 =	vpop (erf)  }
0x8c: {  	v34 =	vmul.f32 v41, v62  }
0x8d: {  	[tilespmem:v63+s18+$0x0] =	vst.idx.msk $0xffff, v31  }
0x8e: {  	[tilespmem:v40+s18+$0x0] =	vst.idx.msk $0xffff, v34  }
0x8f: {  	v34 =	vld [tilespmem:$0x6090];
	_ =	sdelay $0x4  }
0x90: {  	v42 =	vadd.f32 $9.999999710e-10, v34;
	_ =	sdelay $0x1  }
0x91: {  	(erf) = vrcp.f32 v42;
	_ =	sdelay $0x4  }
0x92: {  	v43 =	vld [tilespmem:$0x6110]  }
0x93: {  	v44 =	vor.u32 v6, v27  }
0x94: {  	v45 =	vor.u32 v7, v27;
	_ =	sdelay $0x1  }
0x95: {  	v46 =	vpop (erf)  }
0x96: {  	v35 =	vmul.f32 v46, v43  }
0x97: {  	[tilespmem:v44+s18+$0x0] =	vst.idx.msk $0xffff, v34  }
0x98: {  	[tilespmem:v45+s18+$0x0] =	vst.idx.msk $0xffff, v35  }
0x99: {  	v35 =	vld [tilespmem:$0x60A0];
	_ =	sdelay $0x4  }
0x9a: {  	v47 =	vadd.f32 $9.999999710e-10, v35;
	_ =	sdelay $0x1  }
0x9b: {  	(erf) = vrcp.f32 v47;
	_ =	sdelay $0x4  }
0x9c: {  	v48 =	vld [tilespmem:$0x6120]  }
0x9d: {  	v49 =	vor.u32 v8, v27  }
0x9e: {  	v50 =	vor.u32 v9, v27;
	_ =	sdelay $0x1  }
0x9f: {  	v51 =	vpop (erf)  }
0xa0: {  	v36 =	vmul.f32 v51, v48  }
0xa1: {  	[tilespmem:v49+s18+$0x0] =	vst.idx.msk $0xffff, v35  }
0xa2: {  	[tilespmem:v50+s18+$0x0] =	vst.idx.msk $0xffff, v36  }
0xa3: {  	v36 =	vld [tilespmem:$0x60B0];
	_ =	sdelay $0x4  }
0xa4: {  	v52 =	vadd.f32 $9.999999710e-10, v36;
	_ =	sdelay $0x1  }
0xa5: {  	(erf) = vrcp.f32 v52;
	_ =	sdelay $0x4  }
0xa6: {  	v53 =	vld [tilespmem:$0x6130]  }
0xa7: {  	v54 =	vor.u32 v10, v27  }
0xa8: {  	v55 =	vor.u32 v11, v27;
	_ =	sdelay $0x1  }
0xa9: {  	v56 =	vpop (erf)  }
0xaa: {  	v57 =	vadd.f32 $0.0e+00, v18;
	v38 =	vmul.f32 v56, v53  }
0xab: {  	[tilespmem:v54+s18+$0x0] =	vst.idx.msk $0xffff, v36  }
0xac: {  	v58 =	vadd.f32 v19, v57;
	[tilespmem:v55+s18+$0x0] =	vst.idx.msk $0xffff, v38  }
0xad: {  	v18 =	vmul.f32 v18, v18;
	v19 =	vmul.f32 v19, v19;
	v38 =	vld [tilespmem:$0x60C0]  }
0xae: {  	v39 =	vadd.f32 v20, v58  }
0xaf: {  	v18 =	vadd.f32 v19, v18;
	v19 =	vmul.f32 v20, v20  }
0xb0: {  	v59 =	vadd.f32 v21, v39  }
0xb1: {  	v18 =	vadd.f32 v19, v18;
	v19 =	vmul.f32 v21, v21  }
0xb2: {  	v20 =	vadd.f32 v22, v59;
	v60 =	vadd.f32 $9.999999710e-10, v38  }
0xb3: {  	v18 =	vadd.f32 v19, v18;
	v19 =	vmul.f32 v22, v22  }
0xb4: {  	v20 =	vadd.f32 v23, v20;
	(erf) = vrcp.f32 v60  }
0xb5: {  	v18 =	vadd.f32 v19, v18;
	v19 =	vmul.f32 v23, v23  }
0xb6: {  	v20 =	vadd.f32 v24, v20  }
0xb7: {  	v18 =	vadd.f32 v19, v18;
	v19 =	vmul.f32 v24, v24  }
0xb8: {  	v20 =	vadd.f32 v25, v20  }
0xb9: {  	v18 =	vadd.f32 v19, v18;
	v19 =	vmul.f32 v25, v25;
	v61 =	vld [tilespmem:$0x6140]  }
0xba: {  	v20 =	vadd.f32 v26, v20;
	v62 =	vor.u32 v12, v27  }
0xbb: {  	v63 =	vor.u32 v13, v27;
	v18 =	vadd.f32 v19, v18;
	v19 =	vmul.f32 v26, v26  }
0xbc: {  	v20 =	vadd.f32 v28, v20  }
0xbd: {  	v18 =	vadd.f32 v19, v18;
	v19 =	vmul.f32 v28, v28;
	v28 =	vpop (erf)  }
0xbe: {  	v20 =	vadd.f32 v30, v20;
	v21 =	vmul.f32 v28, v61  }
0xbf: {  	v18 =	vadd.f32 v19, v18;
	[tilespmem:v62+s18+$0x0] =	vst.idx.msk $0xffff, v38  }
0xc0: {  	v19 =	vmul.f32 v30, v30;
	v20 =	vadd.f32 v32, v20;
	[tilespmem:v63+s18+$0x0] =	vst.idx.msk $0xffff, v21  }
0xc1: {  	v21 =	vld [tilespmem:$0x60D0]  }
0xc2: {  	v18 =	vadd.f32 v19, v18;
	v19 =	vmul.f32 v32, v32;
	v20 =	vadd.f32 v33, v20;
	_ =	sdelay $0x1  }
0xc3: {  	v18 =	vadd.f32 v19, v18;
	v19 =	vmul.f32 v33, v33;
	(xrf2) =	vadd.scan.msk.f32 $0xffff, v20;
	_ =	sdelay $0x1  }
0xc4: {  	v18 =	vadd.f32 v19, v18;
	v19 =	vadd.f32 $9.999999710e-10, v21;
	_ =	sdelay $0x1  }
0xc5: {  	(xrf2) =	vadd.scan.msk.f32 $0xffff, v18;
	(erf) = vrcp.f32 v19;
	_ =	sdelay $0x4  }
0xc6: {  	v18 =	vld [tilespmem:$0x6150]  }
0xc7: {  	v30 =	vor.u32 v14, v27;
	v19, _, _ =	vpop (xrf2)  }
0xc8: {  	v33 =	vor.u32 v15, v27;
	v32 =	vmul.f32 v19, v19;
	_ =	sdelay $0x1  }
0xc9: {  	v22 =	vbroadcast v32, $0xF;
	v39 =	vpop (erf)  }
0xca: {  	v40, _, _ =	vpop (xrf2);
	v18 =	vmul.f32 v39, v18  }
0xcb: {  	[tilespmem:v30+s18+$0x0] =	vst.idx.msk $0xffff, v21;
	v41 =	vbroadcast v40, $0xF;
	v22 =	vmul.f32 v29, v22  }
0xcc: {  	[tilespmem:v33+s18+$0x0] =	vst.idx.msk $0xffff, v18  }
0xcd: {  	v18 =	vsub.f32 v41, v22;
	v20 =	vld [tilespmem:$0x60E0];
	_ =	sdelay $0x1  }
0xce: {  	v18 =	vmax.f32 v18, $0.0e+00  }
0xcf: {  	v18 =	vmul.f32 v18, v37;
	_ =	sdelay $0x1  }
0xd0: {  	v43 =	vsel vm2, $0x3F800000, v18;
	v42 =	vadd.f32 $9.999999710e-10, v20  }
0xd1: {  	v44 =	vshra.s32 v43, $0x1  }
0xd2: {  	v45 =	vadd.s32 $0x1FBD1DF5, v44;
	(erf) = vrcp.f32 v42  }
0xd3: {  	(erf) = vrcp.f32 v45;
	_ =	sdelay $0x7  }
0xd4: {  	v46 =	vpop (erf)  }
0xd5: {  	v47 =	vpop (erf)  }
0xd6: {  	v25 =	vmul.f32 v47, v43;
	_ =	sdelay $0x1  }
0xd7: {  	v22 =	vadd.f32 v45, v25;
	_ =	sdelay $0x1  }
0xd8: {  	v22 =	vmul.f32 $5.000000000e-01, v22;
	_ =	sdelay $0x1  }
0xd9: {  	(erf) = vrcp.f32 v22;
	_ =	sdelay $0x6  }
0xda: {  	vm7 =	vgt.f32 v31, $0.0e+00;
	vm15 =	vgt.f32 v34, $0.0e+00  }
0xdb: {  	v49 =	vsel vm15, $0x3F800000, v0;
	v48 =	vsel vm7, $0x3F800000, v0  }
0xdc: {  	vm7 =	vgt.f32 v35, $0.0e+00;
	v25 =	vadd.f32 v49, v48;
	v50 =	vpop (erf)  }
0xdd: {  	v51 =	vsel vm7, $0x3F800000, v0;
	v23 =	vmul.f32 v50, v43  }
0xde: {  	vm7 =	vgt.f32 v36, $0.0e+00;
	v25 =	vadd.f32 v51, v25  }
0xdf: {  	v52 =	vsel vm7, $0x3F800000, v0;
	v22 =	vadd.f32 v23, v22  }
0xe0: {  	vm7 =	vgt.f32 v38, $0.0e+00;
	v53 =	vadd.f32 v52, v25  }
0xe1: {  	v54 =	vsel vm7, $0x3F800000, v0;
	v22 =	vmul.f32 $5.000000000e-01, v22  }
0xe2: {  	vm7 =	vgt.f32 v21, $0.0e+00;
	v23 =	vadd.f32 v54, v53  }
0xe3: {  	v21 =	vsel vm7, $0x3F800000, v0;
	(erf) = vrcp.f32 v22  }
0xe4: {  	vm7 =	vgt.f32 v20, $0.0e+00;
	v21 =	vadd.f32 v21, v23  }
0xe5: {  	v55 =	vsel vm7, $0x3F800000, v0  }
0xe6: {  	v21 =	vadd.f32 v55, v21;
	_ =	sdelay $0x1  }
0xe7: {  	(xrf2) =	vadd.scan.msk.f32 $0xffff, v21;
	_ =	sdelay $0x3  }
0xe8: {  	v56 =	vpop (erf)  }
0xe9: {  	v18 =	vmul.f32 v56, v18  }
0xea: {  	v57 =	vld [tilespmem:$0x6160]  }
0xeb: {  	v18 =	vadd.f32 v18, v22  }
0xec: {  	v58 =	vor.u32 v16, v27;
	v19 =	vbroadcast v19, $0xF  }
0xed: {  	v59 =	vor.u32 v17, v27;
	v18 =	vmul.f32 $5.000000000e-01, v18  }
0xee: {  	p0 =	sne.s32 s26, $0xF;
	v27 =	vor.u32 v3, v27;
	v60 =	vmul.f32 v29, v19;
	v61, _, _ =	vpop (xrf2)  }
.Ltmp0:
0xef: {  	v21 =	vmul.f32 v46, v57;
	v62 =	vbroadcast v61, $0xF;
	v18 =	vsel vm3, $0x0, v18;
	(pc) =	sbr.rel @p0 .LBB2_2-.Ltmp0, $4  }
0xf0: {  	v18 =	vsel vm4, v18, v60  }
0xf1: {  	[tilespmem:v58+s18+$0x0] =	vst.idx.msk $0xf, v20;
	v63 =	vsel vm1, v62, v21;
	v18 =	vsel vm5, v18, v19  }
0xf2: {  	s25 =	sadd.s32 $0x80, s25;
	[tilespmem:v59+s18+$0x0] =	vst.idx.msk $0x1f, v63;
	v18 =	vsel vm6, s28, v18  }
0xf3: {  	s24 =	sadd.s32 $0x100, s24;
	s26 =	sadd.s32 $0x1, s26;
	s23 =	sadd.s32 $0x1, s23;
	[tilespmem:v27+s18+$0x0] =	vst.idx.msk $0xf, v18  }
0xf4: {  	[hbm4b:s8+s1] =	stream.linear.scatter [tilespmem:s18], [sflag:$0x3], $0x1000, $0x38;
	[tilespmem:$0x6180] =	vst v63  }
0xf5: {  	_ =	swait.ge [sflag:s19], $0x1000  }
0xf6: {  	[sflag:s19] =	ssyncset.done $0x0  }
0xf7: {  	[sflag:s19] =	ssyncadd.s32 $0xFFFFF000  }
0xf8: {  	_ =	swait.ge [sflag:s19], $0x1000  }
0xf9: {  	s23 =	simm.s32 $0x10;
	s24 =	simm.s32 $0x1000;
	[sflag:s19] =	ssyncset.done $0x0  }
0xfa: {  	s25 =	simm.s32 $0x4010;
	s26 =	simm.s32 $0x800;
	[sflag:s19] =	ssyncadd.s32 $0xFFFFF000  }
.LBB2_4:
0xfb: {  	[tilespmem:$0x6080] =	vst v0  }
0xfc: {  	[tilespmem:$0x6100] =	vst v0  }
0xfd: {  	[tilespmem:$0x6090] =	vst v0  }
0xfe: {  	[tilespmem:$0x6110] =	vst v0  }
0xff: {  	[tilespmem:$0x60A0] =	vst v0  }
0x100: {  	[tilespmem:$0x6120] =	vst v0  }
0x101: {  	[tilespmem:$0x60B0] =	vst v0  }
0x102: {  	[tilespmem:$0x6130] =	vst v0  }
0x103: {  	[tilespmem:$0x60C0] =	vst v0  }
0x104: {  	[tilespmem:$0x6140] =	vst v0  }
0x105: {  	[tilespmem:$0x60D0] =	vst v0  }
0x106: {  	[tilespmem:$0x6150] =	vst v0  }
0x107: {  	[tilespmem:$0x60E0] =	vst v0;
	s28 =	sand.u32 $0x1800, s24;
	s29 =	sand.u32 $0x380, s26  }
0x108: {  	[tilespmem:$0x6160] =	vst v0;
	s28 =	sor.u32 s29, s28  }
0x109: {  	v18 =	vld [tilespmem:s28+$0x0];
	_ =	sdelay $0x2  }
0x10a: {  	v20 =	vld [tilespmem:s28+$0x10]  }
0x10b: {  	v21 =	vld [tilespmem:s28+$0x20]  }
0x10c: {  	v22 =	vld [tilespmem:s28+$0x30];
	v19 =	vand.u32 $0x7FFFFFFF, v18  }
0x10d: {  	v27 =	vld [tilespmem:s28+$0x40];
	v19 =	vmul.f32 $1.442695020e+00, v19  }
0x10e: {  	v43 =	vld [tilespmem:s28+$0x50]  }
0x10f: {  	v30 =	vld [tilespmem:s28+$0x60];
	(erf) = vpow2.f32 v19  }
0x110: {  	v23 =	vand.u32 $0x80000000, v18;
	vm6 =	vlt.f32 v18, $0.0e+00;
	v19 =	vand.u32 $0x7FFFFFFF, v20  }
0x111: {  	vm7 =	vgt.f32 v18, $0.0e+00;
	v24 =	vand.u32 $0x7FFFFFFF, v21;
	v19 =	vmul.f32 $1.442695020e+00, v19  }
0x112: {  	v26 =	vand.u32 $0x7FFFFFFF, v22;
	v41 =	vand.u32 $0x7FFFFFFF, v27;
	v44 =	vand.u32 $0x80000000, v21  }
0x113: {  	v47 =	vand.u32 $0x80000000, v22;
	v32 =	vand.u32 $0x7FFFFFFF, v43;
	(erf) = vpow2.f32 v19;
	v19 =	vld [tilespmem:s28+$0x2000]  }
0x114: {  	v51 =	vand.u32 $0x80000000, v27;
	v52 =	vand.u32 $0x7FFFFFFF, v30;
	v57 =	vand.u32 $0x80000000, v43  }
0x115: {  	v23 =	vor.u32 v23, v2;
	vm6 =	vmor vm7, vm6;
	v24 =	vmul.f32 $1.442695020e+00, v24  }
0x116: {  	v36 =	vld [tilespmem:s28+$0x2010];
	v37 =	vmul.f32 $1.442695020e+00, v26;
	vm7 =	vgt.f32 v20, $0.0e+00;
	v42 =	vmul.f32 $1.442695020e+00, v41  }
0x117: {  	v32 =	vmul.f32 $1.442695020e+00, v32;
	v53 =	vor.u32 v51, v2;
	v58 =	vor.u32 v57, v2  }
0x118: {  	v18 =	vsel vm6, v23, v18;
	vm6 =	vgt.s32 v19, $0x0;
	v25 =	vpop (erf);
	(erf) = vpow2.f32 v24  }
0x119: {  	v19 =	vnsel vm6, $0x0, v19;
	vm6 =	vlt.f32 v20, $0.0e+00;
	v35 =	vadd.f32 $-1.000000000e+00, v25  }
0x11a: {  	v26 =	vmin.u32 v19, $0x63;
	v19 =	vand.u32 $0x80000000, v20;
	(erf) = vpow2.f32 v37  }
0x11b: {  	v39 =	vld [tilespmem:s28+$0x2020];
	vm6 =	vmor vm7, vm6;
	vm7 =	vgt.s32 v36, $0x0;
	v25 =	vor.u32 v44, v2  }
0x11c: {  	v29 =	vld [tilespmem:s28+$0x2030];
	v37 =	vand.u32 $0x80000000, v30;
	v19 =	vor.u32 v19, v2;
	v40 =	vnsel vm7, $0x0, v36  }
0x11d: {  	v44 =	vld [tilespmem:s28+$0x430];
	vm7 =	vgt.f32 v21, $0.0e+00;
	v37 =	vor.u32 v37, v2;
	v18 =	vmul.f32 v35, v18  }
0x11e: {  	v36 =	vld [tilespmem:s28+$0x410];
	v38 =	vpop (erf);
	v19 =	vsel vm6, v19, v20;
	v28 =	vmin.u32 v40, $0x63;
	vm6 =	vlt.f32 v21, $0.0e+00  }
0x11f: {  	(erf) = vpow2.f32 v42;
	v35 =	vld [tilespmem:s28+$0x400];
	v23 =	vadd.f32 $-1.000000000e+00, v38;
	vm6 =	vmor vm7, vm6  }
0x120: {  	v40 =	vld [tilespmem:s28+$0x420];
	vm7 =	vgt.f32 v22, $0.0e+00;
	v45 =	vsel vm6, v25, v21;
	vm6 =	vgt.s32 v39, $0x0  }
0x121: {  	v25 =	vor.u32 v47, v2;
	v24 =	vnsel vm6, $0x0, v39;
	vm6 =	vlt.f32 v22, $0.0e+00  }
0x122: {  	v19 =	vmul.f32 v23, v19;
	v57 =	vand.u32 $0x7FFFFFFF, v44;
	vm6 =	vmor vm7, vm6  }
0x123: {  	v49 =	vld [tilespmem:s28+$0x2040];
	v33 =	vmin.u32 v24, $0x63;
	vm7 =	vgt.f32 v27, $0.0e+00;
	v39 =	vand.u32 $0x7FFFFFFF, v36  }
0x124: {  	v48 =	vsel vm6, v25, v22;
	vm6 =	vgt.s32 v29, $0x0;
	v61 =	vand.u32 $0x7FFFFFFF, v35  }
0x125: {  	v39 =	vmul.f32 $1.442695020e+00, v39;
	v51 =	vand.u32 $0x7FFFFFFF, v40;
	v46 =	vpop (erf);
	(erf) = vpow2.f32 v32  }
0x126: {  	v25 =	vld [tilespmem:s28+$0x70];
	v50 =	vnsel vm6, $0x0, v29;
	vm6 =	vlt.f32 v27, $0.0e+00;
	v21 =	vadd.f32 $-1.000000000e+00, v46  }
0x127: {  	v31 =	vpop (erf);
	v32 =	vmin.u32 v50, $0x63;
	vm6 =	vmor vm7, vm6;
	vm7 =	vgt.f32 v43, $0.0e+00  }
0x128: {  	v31 =	vadd.f32 $-1.000000000e+00, v31;
	v22 =	vsel vm6, v53, v27;
	vm6 =	vgt.s32 v49, $0x0  }
0x129: {  	v34 =	vld [tilespmem:s28+$0x2050];
	v20 =	vmul.f32 v21, v45;
	v24 =	vnsel vm6, $0x0, v49;
	vm6 =	vlt.f32 v43, $0.0e+00  }
0x12a: {  	v54 =	vpop (erf);
	v45 =	vand.u32 $0x80000000, v35;
	v21 =	vmul.f32 v31, v48;
	v31 =	vmul.f32 $1.442695020e+00, v52  }
0x12b: {  	v50 =	vld [tilespmem:s28+$0x2430];
	v29 =	vadd.f32 $-1.000000000e+00, v54;
	v55 =	vand.u32 $0x7FFFFFFF, v25;
	v27 =	vmin.u32 v24, $0x63  }
0x12c: {  	vm6 =	vmor vm7, vm6;
	vm7 =	vgt.f32 v30, $0.0e+00;
	v56 =	vmul.f32 $1.442695020e+00, v55  }
0x12d: {  	v59 =	vld [tilespmem:s28+$0x2060];
	v41 =	vand.u32 $0x80000000, v25;
	v45 =	vor.u32 v45, v2;
	(erf) = vpow2.f32 v31  }
0x12e: {  	v23 =	vsel vm6, v58, v43;
	vm6 =	vgt.s32 v34, $0x0;
	(erf) = vpow2.f32 v56  }
0x12f: {  	v41 =	vor.u32 v41, v2;
	v22 =	vmul.f32 v29, v22;
	v34 =	vnsel vm6, $0x0, v34  }
0x130: {  	v38 =	vld [tilespmem:s28+$0x2070];
	v31 =	vmul.f32 $1.442695020e+00, v61;
	vm6 =	vlt.f32 v30, $0.0e+00;
	vm8 =	vgt.s32 v50, $0x0  }
0x131: {  	v62 =	vld [tilespmem:s28+$0x2400];
	vm6 =	vmor vm7, vm6;
	v34 =	vmin.u32 v34, $0x63;
	vm7 =	vgt.f32 v25, $0.0e+00  }
0x132: {  	v42 =	vld [tilespmem:s28+$0x2420];
	v56 =	vand.u32 $0x80000000, v36;
	v63 =	vsel vm6, v37, v30;
	vm6 =	vgt.s32 v59, $0x0  }
0x133: {  	v49 =	vld [tilespmem:s28+$0x2410];
	v60 =	vpop (erf);
	(erf) = vpow2.f32 v31;
	v29 =	vnsel vm6, $0x0, v59;
	vm6 =	vlt.f32 v25, $0.0e+00  }
0x134: {  	v52 =	vld [tilespmem:s28+$0x2438];
	v31 =	vmul.f32 $1.442695020e+00, v57;
	v24 =	vadd.f32 $-1.000000000e+00, v60;
	vm6 =	vmor vm7, vm6  }
0x135: {  	v29 =	vmin.u32 v29, $0x63;
	v25 =	vsel vm6, v41, v25;
	v41 =	vld [tilespmem:s28+$0x438];
	vm6 =	vgt.s32 v38, $0x0  }
0x136: {  	vm7 =	vgt.f32 v35, $0.0e+00;
	[tilespmem:v26+s16+$0x0] =	vst.idx.add.f32.msk $0xffff, v1;
	v38 =	vnsel vm6, $0x0, v38;
	vm6 =	vlt.f32 v35, $0.0e+00;
	v48 =	vpop (erf)  }
0x137: {  	v23 =	vmul.f32 v24, v23;
	[tilespmem:v26+s17+$0x0] =	vst.idx.add.f32.msk $0xffff, v18;
	vm6 =	vmor vm7, vm6;
	v43 =	vpop (erf);
	(erf) = vpow2.f32 v39  }
0x138: {  	[tilespmem:v28+s16+$0x0] =	vst.idx.add.f32.msk $0xffff, v1;
	v54 =	vsel vm6, v45, v35;
	vm6 =	vgt.s32 v62, $0x0;
	v30 =	vadd.f32 $-1.000000000e+00, v48  }
0x139: {  	v38 =	vmin.u32 v38, $0x63;
	vm7 =	vgt.f32 v36, $0.0e+00;
	[tilespmem:v28+s17+$0x0] =	vst.idx.add.f32.msk $0xffff, v19;
	v55 =	vnsel vm6, $0x0, v62  }
0x13a: {  	[tilespmem:v33+s16+$0x0] =	vst.idx.add.f32.msk $0xffff, v1;
	vm6 =	vlt.f32 v36, $0.0e+00;
	v24 =	vmul.f32 v30, v63;
	v30 =	vmul.f32 $1.442695020e+00, v51  }
0x13b: {  	v35 =	vand.u32 $0x80000000, v40;
	[tilespmem:v33+s17+$0x0] =	vst.idx.add.f32.msk $0xffff, v20;
	vm6 =	vmor vm7, vm6;
	v59 =	vand.u32 $0x7FFFFFFF, v41  }
0x13c: {  	v61 =	vmin.u32 v55, $0x63;
	v43 =	vadd.f32 $-1.000000000e+00, v43;
	[tilespmem:v32+s16+$0x0] =	vst.idx.add.f32.msk $0xffff, v1;
	v46 =	vpop (erf);
	(erf) = vpow2.f32 v30  }
0x13d: {  	vm7 =	vgt.f32 v40, $0.0e+00;
	v60 =	vmul.f32 $1.442695020e+00, v59;
	[tilespmem:v32+s17+$0x0] =	vst.idx.add.f32.msk $0xffff, v21;
	(erf) = vpow2.f32 v31  }
0x13e: {  	v25 =	vmul.f32 v43, v25;
	v53 =	vadd.f32 $-1.000000000e+00, v46;
	[tilespmem:v27+s16+$0x0] =	vst.idx.add.f32.msk $0xffff, v1;
	v30 =	vor.u32 v56, v2  }
0x13f: {  	v46 =	vnsel vm8, $0x0, v50;
	[tilespmem:v27+s17+$0x0] =	vst.idx.add.f32.msk $0xffff, v22;
	v30 =	vsel vm6, v30, v36;
	vm6 =	vgt.s32 v49, $0x0  }
0x140: {  	[tilespmem:v34+s16+$0x0] =	vst.idx.add.f32.msk $0xffff, v1;
	v62 =	vnsel vm6, $0x0, v49;
	vm6 =	vlt.f32 v40, $0.0e+00;
	v58 =	vpop (erf);
	(erf) = vpow2.f32 v60  }
0x141: {  	v50 =	vand.u32 $0x80000000, v41;
	[tilespmem:v34+s17+$0x0] =	vst.idx.add.f32.msk $0xffff, v23;
	vm6 =	vmor vm7, vm6;
	vm7 =	vgt.s32 v42, $0x0  }
0x142: {  	v26 =	vmul.f32 v53, v54;
	[tilespmem:v29+s16+$0x0] =	vst.idx.add.f32.msk $0xffff, v1;
	v37 =	vnsel vm7, $0x0, v42;
	v33 =	vadd.f32 $-1.000000000e+00, v58  }
0x143: {  	v63 =	vmin.u32 v62, $0x63;
	[tilespmem:v29+s17+$0x0] =	vst.idx.add.f32.msk $0xffff, v24;
	vm7 =	vgt.f32 v44, $0.0e+00;
	v42 =	vmin.u32 v37, $0x63  }
0x144: {  	[tilespmem:v38+s16+$0x0] =	vst.idx.add.f32.msk $0xffff, v1;
	v28 =	vmul.f32 v33, v30;
	v30 =	vor.u32 v35, v2;
	v33 =	vmin.u32 v46, $0x63  }
0x145: {  	[tilespmem:v38+s17+$0x0] =	vst.idx.add.f32.msk $0xffff, v25;
	v36 =	vpop (erf);
	v30 =	vsel vm6, v30, v40;
	v40 =	vand.u32 $0x80000000, v44;
	vm6 =	vlt.f32 v44, $0.0e+00  }
0x146: {  	[tilespmem:v61+s16+$0x0] =	vst.idx.add.f32.msk $0xffff, v1;
	v31 =	vadd.f32 $-1.000000000e+00, v36;
	vm6 =	vmor vm7, vm6;
	vm7 =	vgt.s32 v52, $0x0;
	v47 =	vpop (erf)  }
0x147: {  	[tilespmem:v61+s17+$0x0] =	vst.idx.add.f32.msk $0xffff, v26;
	v45 =	vor.u32 v40, v2;
	v48 =	vnsel vm7, $0x0, v52;
	v49 =	vadd.f32 $-1.000000000e+00, v47  }
0x148: {  	[tilespmem:v63+s16+$0x0] =	vst.idx.add.f32.msk $0xffff, v1;
	vm7 =	vgt.f32 v41, $0.0e+00;
	v30 =	vmul.f32 v31, v30;
	v35 =	vmin.u32 v48, $0x63  }
0x149: {  	[tilespmem:v63+s17+$0x0] =	vst.idx.add.f32.msk $0xffff, v28;
	v31 =	vsel vm6, v45, v44;
	vm6 =	vlt.f32 v41, $0.0e+00;
	v52 =	vsel vm0, $0x0, v35;
	v51 =	vpop (erf)  }
0x14a: {  	v53 =	vor.u32 v50, v2;
	[tilespmem:v42+s16+$0x0] =	vst.idx.add.f32.msk $0xffff, v1;
	vm6 =	vmor vm7, vm6;
	v54 =	vadd.f32 $-1.000000000e+00, v51  }
0x14b: {  	v32 =	vmul.f32 v49, v31;
	v27 =	vsel vm6, v53, v41;
	[tilespmem:v42+s17+$0x0] =	vst.idx.add.f32.msk $0xffff, v30  }
0x14c: {  	[tilespmem:v33+s16+$0x0] =	vst.idx.add.f32.msk $0xffff, v1;
	v27 =	vmul.f32 v54, v27  }
0x14d: {  	[tilespmem:v33+s17+$0x0] =	vst.idx.add.f32.msk $0xffff, v32  }
0x14e: {  	[tilespmem:v52+s16+$0x0] =	vst.idx.add.f32.msk $0xffff, v1;
	v33 =	vsel vm0, $0x0, v27  }
0x14f: {  	[tilespmem:v35+s17+$0x0] =	vst.idx.add.f32.msk $0xffff, v33  }
0x150: {  	v55 =	vld [tilespmem:s25+$0x0];
	_ =	sdelay $0x4  }
0x151: {  	(v2sf) =	vpush v55, $0x0;
	_ =	sdelay $0xe  }
0x152: {  	s31 =	spop (v2sf)  }
0x153: {  	s28 =	scvt.s32.f32 s31  }
0x154: {  	v56 =	vld [tilespmem:$0x6080]  }
0x155: {  	v57 =	vmov s28  }
0x156: {  	v58 =	vadd.f32 $-1.000000000e+00, v57;
	_ =	sdelay $0x1  }
0x157: {  	vm6 =	veq.s32 v3, $0x0;
	v29 =	vadd.f32 $9.999999710e-10, v57;
	v31 =	vmax.f32 v58, $0.0e+00  }
0x158: {  	v59 =	vadd.f32 $9.999999710e-10, v31;
	v31 =	vsel vm6, $0x0, v56  }
0x159: {  	(erf) = vrcp.f32 v29;
	v27 =	vadd.f32 $9.999999710e-10, v31  }
0x15a: {  	(erf) = vrcp.f32 v59  }
0x15b: {  	(erf) = vrcp.f32 v27;
	_ =	sdelay $0x1  }
0x15c: {  	v60 =	vmov s23  }
0x15d: {  	v61 =	vshll.u32 v60, $0x8;
	v27 =	vshll.u32 v60, $0x7  }
0x15e: {  	v29 =	vand.u32 $0x1800, v61;
	v27 =	vand.u32 $0x380, v27  }
0x15f: {  	v62 =	vld [tilespmem:$0x6100];
	v27 =	vor.u32 v27, v29  }
0x160: {  	v63 =	vor.u32 v4, v27  }
0x161: {  	v40 =	vor.u32 v5, v27;
	v29 =	vpop (erf)  }
0x162: {  	v37 =	vpop (erf)  }
0x163: {  	v41 =	vpop (erf)  }
0x164: {  	v34 =	vmul.f32 v41, v62  }
0x165: {  	[tilespmem:v63+s18+$0x0] =	vst.idx.msk $0xffff, v31  }
0x166: {  	[tilespmem:v40+s18+$0x0] =	vst.idx.msk $0xffff, v34  }
0x167: {  	v34 =	vld [tilespmem:$0x6090];
	_ =	sdelay $0x4  }
0x168: {  	v42 =	vadd.f32 $9.999999710e-10, v34;
	_ =	sdelay $0x1  }
0x169: {  	(erf) = vrcp.f32 v42;
	_ =	sdelay $0x4  }
0x16a: {  	v43 =	vld [tilespmem:$0x6110]  }
0x16b: {  	v44 =	vor.u32 v6, v27  }
0x16c: {  	v45 =	vor.u32 v7, v27;
	_ =	sdelay $0x1  }
0x16d: {  	v46 =	vpop (erf)  }
0x16e: {  	v35 =	vmul.f32 v46, v43  }
0x16f: {  	[tilespmem:v44+s18+$0x0] =	vst.idx.msk $0xffff, v34  }
0x170: {  	[tilespmem:v45+s18+$0x0] =	vst.idx.msk $0xffff, v35  }
0x171: {  	v35 =	vld [tilespmem:$0x60A0];
	_ =	sdelay $0x4  }
0x172: {  	v47 =	vadd.f32 $9.999999710e-10, v35;
	_ =	sdelay $0x1  }
0x173: {  	(erf) = vrcp.f32 v47;
	_ =	sdelay $0x4  }
0x174: {  	v48 =	vld [tilespmem:$0x6120]  }
0x175: {  	v49 =	vor.u32 v8, v27  }
0x176: {  	v50 =	vor.u32 v9, v27;
	_ =	sdelay $0x1  }
0x177: {  	v51 =	vpop (erf)  }
0x178: {  	v36 =	vmul.f32 v51, v48  }
0x179: {  	[tilespmem:v49+s18+$0x0] =	vst.idx.msk $0xffff, v35  }
0x17a: {  	[tilespmem:v50+s18+$0x0] =	vst.idx.msk $0xffff, v36  }
0x17b: {  	v36 =	vld [tilespmem:$0x60B0];
	_ =	sdelay $0x4  }
0x17c: {  	v52 =	vadd.f32 $9.999999710e-10, v36;
	_ =	sdelay $0x1  }
0x17d: {  	(erf) = vrcp.f32 v52;
	_ =	sdelay $0x4  }
0x17e: {  	v53 =	vld [tilespmem:$0x6130]  }
0x17f: {  	v54 =	vor.u32 v10, v27  }
0x180: {  	v55 =	vor.u32 v11, v27;
	_ =	sdelay $0x1  }
0x181: {  	v56 =	vpop (erf)  }
0x182: {  	v57 =	vadd.f32 $0.0e+00, v18;
	v38 =	vmul.f32 v56, v53  }
0x183: {  	[tilespmem:v54+s18+$0x0] =	vst.idx.msk $0xffff, v36  }
0x184: {  	v58 =	vadd.f32 v19, v57;
	[tilespmem:v55+s18+$0x0] =	vst.idx.msk $0xffff, v38  }
0x185: {  	v18 =	vmul.f32 v18, v18;
	v19 =	vmul.f32 v19, v19;
	v38 =	vld [tilespmem:$0x60C0]  }
0x186: {  	v39 =	vadd.f32 v20, v58  }
0x187: {  	v18 =	vadd.f32 v19, v18;
	v19 =	vmul.f32 v20, v20  }
0x188: {  	v59 =	vadd.f32 v21, v39  }
0x189: {  	v18 =	vadd.f32 v19, v18;
	v19 =	vmul.f32 v21, v21  }
0x18a: {  	v20 =	vadd.f32 v22, v59;
	v60 =	vadd.f32 $9.999999710e-10, v38  }
0x18b: {  	v18 =	vadd.f32 v19, v18;
	v19 =	vmul.f32 v22, v22  }
0x18c: {  	v20 =	vadd.f32 v23, v20;
	(erf) = vrcp.f32 v60  }
0x18d: {  	v18 =	vadd.f32 v19, v18;
	v19 =	vmul.f32 v23, v23  }
0x18e: {  	v20 =	vadd.f32 v24, v20  }
0x18f: {  	v18 =	vadd.f32 v19, v18;
	v19 =	vmul.f32 v24, v24  }
0x190: {  	v20 =	vadd.f32 v25, v20  }
0x191: {  	v18 =	vadd.f32 v19, v18;
	v19 =	vmul.f32 v25, v25;
	v61 =	vld [tilespmem:$0x6140]  }
0x192: {  	v20 =	vadd.f32 v26, v20;
	v62 =	vor.u32 v12, v27  }
0x193: {  	v63 =	vor.u32 v13, v27;
	v18 =	vadd.f32 v19, v18;
	v19 =	vmul.f32 v26, v26  }
0x194: {  	v20 =	vadd.f32 v28, v20  }
0x195: {  	v18 =	vadd.f32 v19, v18;
	v19 =	vmul.f32 v28, v28;
	v28 =	vpop (erf)  }
0x196: {  	v20 =	vadd.f32 v30, v20;
	v21 =	vmul.f32 v28, v61  }
0x197: {  	v18 =	vadd.f32 v19, v18;
	[tilespmem:v62+s18+$0x0] =	vst.idx.msk $0xffff, v38  }
0x198: {  	v19 =	vmul.f32 v30, v30;
	v20 =	vadd.f32 v32, v20;
	[tilespmem:v63+s18+$0x0] =	vst.idx.msk $0xffff, v21  }
0x199: {  	v21 =	vld [tilespmem:$0x60D0]  }
0x19a: {  	v18 =	vadd.f32 v19, v18;
	v19 =	vmul.f32 v32, v32;
	v20 =	vadd.f32 v33, v20;
	_ =	sdelay $0x1  }
0x19b: {  	v18 =	vadd.f32 v19, v18;
	v19 =	vmul.f32 v33, v33;
	(xrf2) =	vadd.scan.msk.f32 $0xffff, v20;
	_ =	sdelay $0x1  }
0x19c: {  	v18 =	vadd.f32 v19, v18;
	v19 =	vadd.f32 $9.999999710e-10, v21;
	_ =	sdelay $0x1  }
0x19d: {  	(xrf2) =	vadd.scan.msk.f32 $0xffff, v18;
	(erf) = vrcp.f32 v19;
	_ =	sdelay $0x4  }
0x19e: {  	v18 =	vld [tilespmem:$0x6150]  }
0x19f: {  	v30 =	vor.u32 v14, v27;
	v19, _, _ =	vpop (xrf2)  }
0x1a0: {  	v33 =	vor.u32 v15, v27;
	v32 =	vmul.f32 v19, v19;
	_ =	sdelay $0x1  }
0x1a1: {  	v22 =	vbroadcast v32, $0xF;
	v39 =	vpop (erf)  }
0x1a2: {  	v40, _, _ =	vpop (xrf2);
	v18 =	vmul.f32 v39, v18  }
0x1a3: {  	[tilespmem:v30+s18+$0x0] =	vst.idx.msk $0xffff, v21;
	v41 =	vbroadcast v40, $0xF;
	v22 =	vmul.f32 v29, v22  }
0x1a4: {  	[tilespmem:v33+s18+$0x0] =	vst.idx.msk $0xffff, v18  }
0x1a5: {  	v18 =	vsub.f32 v41, v22;
	v20 =	vld [tilespmem:$0x60E0];
	_ =	sdelay $0x1  }
0x1a6: {  	v18 =	vmax.f32 v18, $0.0e+00  }
0x1a7: {  	v18 =	vmul.f32 v18, v37;
	_ =	sdelay $0x1  }
0x1a8: {  	v43 =	vsel vm2, $0x3F800000, v18;
	v42 =	vadd.f32 $9.999999710e-10, v20  }
0x1a9: {  	v44 =	vshra.s32 v43, $0x1  }
0x1aa: {  	v45 =	vadd.s32 $0x1FBD1DF5, v44;
	(erf) = vrcp.f32 v42  }
0x1ab: {  	(erf) = vrcp.f32 v45;
	_ =	sdelay $0x7  }
0x1ac: {  	v46 =	vpop (erf)  }
0x1ad: {  	v47 =	vpop (erf)  }
0x1ae: {  	v25 =	vmul.f32 v47, v43;
	_ =	sdelay $0x1  }
0x1af: {  	v22 =	vadd.f32 v45, v25;
	_ =	sdelay $0x1  }
0x1b0: {  	v22 =	vmul.f32 $5.000000000e-01, v22;
	_ =	sdelay $0x1  }
0x1b1: {  	(erf) = vrcp.f32 v22;
	_ =	sdelay $0x6  }
0x1b2: {  	vm7 =	vgt.f32 v31, $0.0e+00;
	vm15 =	vgt.f32 v34, $0.0e+00  }
0x1b3: {  	v49 =	vsel vm15, $0x3F800000, v0;
	v48 =	vsel vm7, $0x3F800000, v0  }
0x1b4: {  	vm7 =	vgt.f32 v35, $0.0e+00;
	v25 =	vadd.f32 v49, v48;
	v50 =	vpop (erf)  }
0x1b5: {  	v51 =	vsel vm7, $0x3F800000, v0;
	v23 =	vmul.f32 v50, v43  }
0x1b6: {  	vm7 =	vgt.f32 v36, $0.0e+00;
	v25 =	vadd.f32 v51, v25  }
0x1b7: {  	v52 =	vsel vm7, $0x3F800000, v0;
	v22 =	vadd.f32 v23, v22  }
0x1b8: {  	vm7 =	vgt.f32 v38, $0.0e+00;
	v53 =	vadd.f32 v52, v25  }
0x1b9: {  	v54 =	vsel vm7, $0x3F800000, v0;
	v22 =	vmul.f32 $5.000000000e-01, v22  }
0x1ba: {  	vm7 =	vgt.f32 v21, $0.0e+00;
	v23 =	vadd.f32 v54, v53  }
0x1bb: {  	v21 =	vsel vm7, $0x3F800000, v0;
	(erf) = vrcp.f32 v22  }
0x1bc: {  	vm7 =	vgt.f32 v20, $0.0e+00;
	v21 =	vadd.f32 v21, v23  }
0x1bd: {  	v55 =	vsel vm7, $0x3F800000, v0  }
0x1be: {  	v21 =	vadd.f32 v55, v21;
	_ =	sdelay $0x1  }
0x1bf: {  	(xrf2) =	vadd.scan.msk.f32 $0xffff, v21;
	_ =	sdelay $0x3  }
0x1c0: {  	v56 =	vpop (erf)  }
0x1c1: {  	v18 =	vmul.f32 v56, v18  }
0x1c2: {  	v57 =	vld [tilespmem:$0x6160]  }
0x1c3: {  	v18 =	vadd.f32 v18, v22  }
0x1c4: {  	v58 =	vor.u32 v16, v27;
	v19 =	vbroadcast v19, $0xF  }
0x1c5: {  	v59 =	vor.u32 v17, v27;
	v18 =	vmul.f32 $5.000000000e-01, v18  }
0x1c6: {  	p0 =	sne.s32 s24, $0x1F00;
	v27 =	vor.u32 v3, v27;
	v60 =	vmul.f32 v29, v19;
	v61, _, _ =	vpop (xrf2)  }
.Ltmp1:
0x1c7: {  	v21 =	vmul.f32 v46, v57;
	v62 =	vbroadcast v61, $0xF;
	v18 =	vsel vm3, $0x0, v18;
	(pc) =	sbr.rel @p0 .LBB2_4-.Ltmp1, $4  }
0x1c8: {  	v18 =	vsel vm4, v18, v60  }
0x1c9: {  	[tilespmem:v58+s18+$0x0] =	vst.idx.msk $0xf, v20;
	v63 =	vsel vm1, v62, v21;
	v18 =	vsel vm5, v18, v19  }
0x1ca: {  	s26 =	sadd.s32 $0x80, s26;
	[tilespmem:v59+s18+$0x0] =	vst.idx.msk $0x1f, v63;
	v18 =	vsel vm6, s28, v18  }
0x1cb: {  	s24 =	sadd.s32 $0x100, s24;
	s23 =	sadd.s32 $0x1, s23;
	s25 =	sadd.s32 $0x1, s25;
	[tilespmem:v27+s18+$0x0] =	vst.idx.msk $0xf, v18  }
0x1cc: {  	_ =	swait.ge [sflag:s20], $0x1000;
	s22 =	sadd.s32 $0x1, s22  }
0x1cd: {  	[sflag:s20] =	ssyncset.done $0x0;
	p0 =	sne.s32 s22, s10  }
.Ltmp2:
0x1ce: {  	[sflag:s20] =	ssyncadd.s32 $0xFFFFF000;
	(pc) =	sbr.rel @p0 .LBB2_1-.Ltmp2, $4  }
0x1cf: {  	[hbm4b:s9+s1] =	stream.linear.scatter [tilespmem:s21], [sflag:$0x4], $0x1000, $0x38;
	[tilespmem:$0x6180] =	vst v63  }
0x1d0: {  	_ =	swait.ge [sflag:s14], $0x1000  }
0x1d1: {  	[sflag:s14] =	ssyncset.done $0x0  }
0x1d2: {  	[sflag:s14] =	ssyncadd.s32 $0xFFFFF000  }
0x1d3: {  	_ =	sfence.sel $0x180000  }
0x1d4: {  	[bflag:$0x0] =	sbarrier.arrive $0xFFFF  }
0x1d5: {  	p0 =	sne.s32 s2, $0x0;
	_ =	strace $0x90000047  }
0x1d6: {  	s0 =	sadd.s32 @!p0 $0x100000, s0;
	[bflag:$0x2] =	sbarrier.arrive $0xFFFF  }
0x1d7: {  	[sflag:s0] =	ssyncadd.tile.s32 @!p0 $0x1;
	_ =	shalt  }
.Lfunc_end2:
_tile_overlayer_lowered:
.L_overlay_start_2:
0x1d8: {  	(tag) =	ssettag $0x2  }
0x1d9: {  	s0 =	rddreg [dreg:$0x0];
	s2 =	stileid.u32  }
0x1da: {  	s1 =	rddreg [dreg:$0x1];
	p0 =	sne.s32 s2, $0x0  }
0x1db: {  	s3 =	rddreg [dreg:$0x2];
	[bflag:$0x3] =	sbarrier.arrive $0xFFFF;
	s2 =	simm.s32 @!p0 $0x1C04  }
0x1dc: {  	[timem:s3], [sflag:s2] =	dma.local @!p0 [hbm:s0], s1  }
0x1dd: {  	s0 =	simm.s32 @!p0 $0x4  }
0x1de: {  	_ =	swait.ge @!p0 [sflag:s0], s1  }
0x1df: {  	s1 =	ssub.s32 @!p0 $0x0, s1;
	[sflag:s0] =	ssyncset.done @!p0 $0x0  }
0x1e0: {  	[sflag:s0] =	ssyncadd.s32 @!p0 s1  }
0x1e1: {  	[bflag:$0x3] =	sbarrier.arrive $0xFFFF  }
0x1e2: {  	_ =	shalt  }

</sc_bundles>
